<compile_context>
chip_gen: v7x
topology: tpu7x:2x2x1
jax: 0.10.2.dev20260603
libtpu: 0.0.44.dev20260713+nightly
codegen_flags: <defaults>
</compile_context>

<pallas_src>
import functools

import jax
import jax.numpy as jnp
from jax import lax
from jax.experimental import pallas as pl
from jax.experimental.pallas import tpu as pltpu
from jax.experimental.pallas import tpu_sc as plsc

N_ECAL = 8000
N_ES = 2000
N = N_ECAL + N_ES
IN_DIM = 5
H = 64
K = 16
B = 16
R = 400
CB = 512
NPAD = 10752
NCHUNK = N // R
BIGI = 2 ** 30
INF = float("inf")
NEGINF = float("-inf")


def _expm1(v):
    p = v * (1.0 + v * (0.5 + v * (1.0 / 6.0 + v * (1.0 / 24.0 + v * (
        1.0 / 120.0 + v * (1.0 / 720.0 + v * (1.0 / 5040.0)))))))
    return jnp.where(v < -0.35, jnp.exp(v) - 1.0, p)


def _elu(v):
    return jnp.where(v > 0, v, _expm1(jnp.minimum(v, 0.0)))


def _elu_fast(v):
    return jnp.where(v > 0, v, jnp.exp(jnp.minimum(v, 0.0)) - 1.0)


def _dot(a, b):
    return jnp.dot(a, b, preferred_element_type=jnp.float32)


def _embed_body(xin_ref, we_ref, be_ref, ws_ref, bs_ref, out_ref):
    i = pl.program_id(0)
    use_ecal = i < (N_ECAL // R)
    wsel = jnp.where(use_ecal, we_ref[...], ws_ref[...])
    bsel = jnp.where(use_ecal, be_ref[...], bs_ref[...])
    out_ref[...] = _elu(_dot(xin_ref[...], wsel) + bsel)


def _prep_body(x_ref, sq_ref):
    xb = x_ref[...]
    sq_ref[...] = jnp.sum(xb * xb, axis=1, keepdims=True)


def _knn_body(cinfo_ref, x_ref, xpad_ref, sqc_ref, sqr_ref, brow_ref,
              bcol_ref, out_ref):
    i = pl.program_id(0)
    cbase = cinfo_ref[0, i]
    nv = cinfo_ref[1, i]
    xr = x_ref[...]
    sqr = sqr_ref[...]
    br = brow_ref[...]
    kiota = jax.lax.broadcasted_iota(jnp.int32, (R, K), 1)

    def tk_body(c, carry):
        vals, idxs = carry
        colbase = pl.multiple_of(cbase + c * CB, 128)
        xc = xpad_ref[pl.ds(colbase, CB), :]
        sc = sqc_ref[:, pl.ds(colbase, CB)]
        bc = bcol_ref[:, pl.ds(colbase, CB)]
        d = (sqr - 2.0 * jax.lax.dot_general(
            xr, xc, (((1,), (1,)), ((), ())),
            preferred_element_type=jnp.float32)) + sc
        d = jnp.where(br == bc, d, INF)
        gidx = colbase + jax.lax.broadcasted_iota(jnp.int32, (R, CB), 1)
        allv = jnp.concatenate([vals, d], axis=1)
        alli = jnp.concatenate([idxs, gidx], axis=1)
        for k in range(K):
            m = jnp.min(allv, axis=1, keepdims=True)
            j = jnp.min(jnp.where(allv == m, alli, BIGI), axis=1,
                        keepdims=True)
            vals = jnp.where(kiota == k, m, vals)
            idxs = jnp.where(kiota == k, j, idxs)
            allv = jnp.where(alli == j, INF, allv)
        return vals, idxs

    vals0 = jnp.full((R, K), INF, jnp.float32)
    idxs0 = jnp.full((R, K), BIGI, jnp.int32)
    _, idxs = jax.lax.fori_loop(0, nv, tk_body, (vals0, idxs0))
    out_ref[...] = jnp.clip(idxs, 0, N - 1)


SC_NC = 2
SC_NS = 16
SC_NW = SC_NC * SC_NS


def _make_sc_gather(n_idx, gb):
    bw = n_idx // SC_NW

    def body(x_hbm, idx_hbm, out_hbm, idx_v, rows_v, sem):
        wid = lax.axis_index("s") * SC_NC + lax.axis_index("c")
        base = wid * bw

        def step(j, carry):
            off = base + j * gb
            pltpu.sync_copy(idx_hbm.at[pl.ds(off, gb)], idx_v)
            pltpu.async_copy(x_hbm.at[idx_v], rows_v, sem).wait()
            pltpu.sync_copy(rows_v, out_hbm.at[pl.ds(off, gb)])
            return carry

        lax.fori_loop(0, bw // gb, step, 0)

    return pl.kernel(
        body,
        out_type=jax.ShapeDtypeStruct((n_idx, H), jnp.float32),
        mesh=plsc.VectorSubcoreMesh(core_axis_name="c",
                                    subcore_axis_name="s"),
        scratch_types=[
            pltpu.VMEM((gb,), jnp.int32),
            pltpu.VMEM((gb, H), jnp.float32),
            pltpu.SemaphoreType.DMA,
        ],
        compiler_params=pltpu.CompilerParams(use_tc_tiling_on_sc=False),
    )


def _mlp_body(x_ref, xg_ref, w1_ref, b1_ref, w2_ref, b2_ref, out_ref,
              *, elu):
    xr = x_ref[...]
    xg = xg_ref[...]
    xi = jnp.broadcast_to(xr[:, None, :], (R, K, H)).reshape(R * K, H)
    feat = jnp.concatenate([xi, xg - xi], axis=1)
    h1 = elu(_dot(feat, w1_ref[...]) + b1_ref[...])
    m = elu(_dot(h1, w2_ref[...]) + b2_ref[...])
    out_ref[...] = jnp.sum(m.reshape(R, K, H), axis=1)


def _pool_body(x_ref, brow_ref, wo1_ref, bo1_ref, wo2_ref, bo2_ref,
               wo3_ref, bo3_ref, out_ref):
    xv = x_ref[...]
    bv = brow_ref[...]
    rows = [jnp.max(jnp.where(bv == b, xv, NEGINF), axis=0, keepdims=True)
            for b in range(B)]
    pooled = jnp.concatenate(rows, axis=0)
    o = _elu_fast(_dot(pooled, wo1_ref[...]) + bo1_ref[...])
    o = _elu_fast(_dot(o, wo2_ref[...]) + bo2_ref[...])
    out_ref[...] = _dot(o, wo3_ref[...]) + bo3_ref[...]


def kernel(xECAL, xES, batch, W_in_ecal, b_in_ecal, W_in_es, b_in_es,
           W1_0, b1_0, W2_0, b2_0, W1_1, b1_1, W2_1, b2_1,
           Wo1, bo1, Wo2, bo2, Wo3, bo3):
    xin = jnp.concatenate([xECAL, xES], axis=0)
    batch = batch.astype(jnp.int32)

    x = pl.pallas_call(
        _embed_body,
        grid=(NCHUNK,),
        in_specs=[
            pl.BlockSpec((R, IN_DIM), lambda i: (i, 0)),
            pl.BlockSpec((IN_DIM, H), lambda i: (0, 0)),
            pl.BlockSpec((1, H), lambda i: (0, 0)),
            pl.BlockSpec((IN_DIM, H), lambda i: (0, 0)),
            pl.BlockSpec((1, H), lambda i: (0, 0)),
        ],
        out_specs=pl.BlockSpec((R, H), lambda i: (i, 0)),
        out_shape=jax.ShapeDtypeStruct((N, H), jnp.float32),
    )(xin, W_in_ecal, b_in_ecal.reshape(1, H), W_in_es, b_in_es.reshape(1, H))

    offs = jnp.searchsorted(batch, jnp.arange(B + 1, dtype=jnp.int32)).astype(jnp.int32)
    row_starts = jnp.arange(NCHUNK, dtype=jnp.int32) * R
    b_lo = batch[row_starts]
    b_hi = batch[row_starts + R - 1]
    cbase = (offs[b_lo] // 128) * 128
    nvisit = (offs[b_hi + 1] - cbase + CB - 1) // CB
    cinfo = jnp.stack([cbase, nvisit], axis=0)

    batch_col = jnp.pad(batch, (0, NPAD - N), constant_values=-1).reshape(1, NPAD)
    batch_row = batch.reshape(N, 1)

    for lyr, (W1, b1, W2, b2) in enumerate(((W1_0, b1_0, W2_0, b2_0),
                                            (W1_1, b1_1, W2_1, b2_1))):
        sq = pl.pallas_call(
            _prep_body,
            grid=(NCHUNK,),
            in_specs=[pl.BlockSpec((R, H), lambda i: (i, 0))],
            out_specs=pl.BlockSpec((R, 1), lambda i: (i, 0)),
            out_shape=jax.ShapeDtypeStruct((N, 1), jnp.float32),
        )(x)

        xpad = jnp.pad(x, ((0, NPAD - N), (0, 0)))
        sq_col = jnp.pad(sq.reshape(1, N), ((0, 0), (0, NPAD - N)))

        grid_spec = pltpu.PrefetchScalarGridSpec(
            num_scalar_prefetch=1,
            grid=(NCHUNK,),
            in_specs=[
                pl.BlockSpec((R, H), lambda i, s: (i, 0)),
                pl.BlockSpec((NPAD, H), lambda i, s: (0, 0)),
                pl.BlockSpec((1, NPAD), lambda i, s: (0, 0)),
                pl.BlockSpec((R, 1), lambda i, s: (i, 0)),
                pl.BlockSpec((R, 1), lambda i, s: (i, 0)),
                pl.BlockSpec((1, NPAD), lambda i, s: (0, 0)),
            ],
            out_specs=pl.BlockSpec((R, K), lambda i, s: (i, 0)),
        )
        idx = pl.pallas_call(
            _knn_body,
            grid_spec=grid_spec,
            out_shape=jax.ShapeDtypeStruct((N, K), jnp.int32),
        )(cinfo, x, xpad, sq_col, sq, batch_row, batch_col)

        xg = _make_sc_gather(N * K, 1000)(x, idx.reshape(N * K))

        x = pl.pallas_call(
            functools.partial(_mlp_body,
                              elu=_elu if lyr == 0 else _elu_fast),
            grid=(NCHUNK,),
            in_specs=[
                pl.BlockSpec((R, H), lambda i: (i, 0)),
                pl.BlockSpec((R * K, H), lambda i: (i, 0)),
                pl.BlockSpec((2 * H, H), lambda i: (0, 0)),
                pl.BlockSpec((1, H), lambda i: (0, 0)),
                pl.BlockSpec((H, H), lambda i: (0, 0)),
                pl.BlockSpec((1, H), lambda i: (0, 0)),
            ],
            out_specs=pl.BlockSpec((R, H), lambda i: (i, 0)),
            out_shape=jax.ShapeDtypeStruct((N, H), jnp.float32),
        )(x, xg, W1, b1.reshape(1, H), W2, b2.reshape(1, H))

    out = pl.pallas_call(
        _pool_body,
        in_specs=[
            pl.BlockSpec((N, H), lambda: (0, 0)),
            pl.BlockSpec((N, 1), lambda: (0, 0)),
            pl.BlockSpec((H, H), lambda: (0, 0)),
            pl.BlockSpec((1, H), lambda: (0, 0)),
            pl.BlockSpec((H, H // 2), lambda: (0, 0)),
            pl.BlockSpec((1, H // 2), lambda: (0, 0)),
            pl.BlockSpec((H // 2, 1), lambda: (0, 0)),
            pl.BlockSpec((1, 1), lambda: (0, 0)),
        ],
        out_specs=pl.BlockSpec((B, 1), lambda: (0, 0)),
        out_shape=jax.ShapeDtypeStruct((B, 1), jnp.float32),
    )(x, batch_row, Wo1, bo1.reshape(1, H), Wo2, bo2.reshape(1, H // 2),
      Wo3, bo3.reshape(1, 1))
    return out

# --- scband reference (transcript-rebuilt; emitter-appended) ---
"""Pipeline reference for scband-dynamic-reduction-network-8950711845775 (READ-ONLY COPY).

The authoritative reference and input builder live on the scoring server;
editing this copy changes nothing except your own understanding.
"""

import jax, jax.numpy as jnp
import numpy as np

N_ECAL = 8000
N_ES = 2000
N = N_ECAL + N_ES
IN_DIM = 5
H = 64
K = 16
B = 16
CH = 500

def _init(key, shape, fan_in):
    return jax.random.normal(key, shape, jnp.float32) * (1.0 / np.sqrt(fan_in))

def setup_inputs(seed: int = 0):
    key = jax.random.key(seed)
    ks = jax.random.split(key, 32)
    inp = {}
    inp['xECAL'] = jax.random.normal(ks[0], (N_ECAL, IN_DIM), jnp.float32)
    inp['xES'] = jax.random.normal(ks[1], (N_ES, IN_DIM), jnp.float32)
    inp['batch'] = jnp.sort(jax.random.randint(ks[2], (N,), 0, B)).astype(jnp.int32)
    inp['W_in_ecal'] = _init(ks[3], (IN_DIM, H), IN_DIM)
    inp['b_in_ecal'] = jnp.zeros((H,), jnp.float32)
    inp['W_in_es'] = _init(ks[4], (IN_DIM, H), IN_DIM)
    inp['b_in_es'] = jnp.zeros((H,), jnp.float32)
    inp['W1_0'] = _init(ks[5], (2 * H, H), 2 * H)
    inp['b1_0'] = jnp.zeros((H,), jnp.float32)
    inp['W2_0'] = _init(ks[6], (H, H), H)
    inp['b2_0'] = jnp.zeros((H,), jnp.float32)
    inp['W1_1'] = _init(ks[7], (2 * H, H), 2 * H)
    inp['b1_1'] = jnp.zeros((H,), jnp.float32)
    inp['W2_1'] = _init(ks[8], (H, H), H)
    inp['b2_1'] = jnp.zeros((H,), jnp.float32)
    inp['Wo1'] = _init(ks[9], (H, H), H)
    inp['bo1'] = jnp.zeros((H,), jnp.float32)
    inp['Wo2'] = _init(ks[10], (H, H // 2), H)
    inp['bo2'] = jnp.zeros((H // 2,), jnp.float32)
    inp['Wo3'] = _init(ks[11], (H // 2, 1), H // 2)
    inp['bo3'] = jnp.zeros((1,), jnp.float32)
    return inp

def _knn(x, batch, k):
    # batched kNN graph (loop=True: self included since self-distance is 0)
    xs = jax.lax.stop_gradient(x)
    n, d = xs.shape
    sq = jnp.sum(xs * xs, axis=1)
    xr = xs.reshape(n // CH, CH, d)
    br = batch.reshape(n // CH, CH)
    def f(args):
        xc, bc = args
        d2 = jnp.sum(xc * xc, axis=1)[:, None] - 2.0 * (xc @ xs.T) + sq[None, :]
        d2 = jnp.where(bc[:, None] != batch[None, :], jnp.inf, d2)
        _, idx = jax.lax.top_k(-d2, k)
        return idx
    idx = jax.lax.map(f, (xr, br))
    return idx.reshape(n, k)

def _edgeconv(x, idx, W1, b1, W2, b2):
    # EdgeConv with aggr='add': sum_j MLP([x_i, x_j - x_i])
    xj = x[idx]                                  # [N, K, H] gather
    xi = jnp.broadcast_to(x[:, None, :], xj.shape)
    feat = jnp.concatenate([xi, xj - xi], axis=-1)
    m = jax.nn.elu(feat @ W1 + b1)
    m = jax.nn.elu(m @ W2 + b2)
    return jnp.sum(m, axis=1)

def reference(xECAL, xES, batch, W_in_ecal, b_in_ecal, W_in_es, b_in_es, W1_0, b1_0, W2_0, b2_0, W1_1, b1_1, W2_1, b2_1, Wo1, bo1, Wo2, bo2, Wo3, bo3):
    h_ecal = jax.nn.elu(xECAL @ W_in_ecal + b_in_ecal)
    h_es = jax.nn.elu(xES @ W_in_es + b_in_es)
    x = jnp.concatenate([h_ecal, h_es], axis=0)
    for (W1, b1, W2, b2) in ((W1_0, b1_0, W2_0, b2_0), (W1_1, b1_1, W2_1, b2_1)):
        idx = _knn(x, batch, K)
        x = _edgeconv(x, idx, W1, b1, W2, b2)
    pooled = jax.ops.segment_max(x, batch, num_segments=B)  # pool='max'
    o = jax.nn.elu(pooled @ Wo1 + bo1)
    o = jax.nn.elu(o @ Wo2 + bo2)
    return o @ Wo3 + bo3

if __name__ == "__main__":
    import jax
    _d = setup_inputs()
    print(jax.jit(kernel)(*tuple(_d.values())))

</pallas_src>

<mosaic_0001>
#map = affine_map<(d0, d1) -> (0, 0)>
#map1 = affine_map<(d0, d1) -> (0)>
module attributes {stable_mosaic.version = 14 : i64} {
  func.func @body(%arg0: i32, %arg1: i32, %arg2: memref<10000x64xf32, #tpu.memory_space<hbm>>, %arg3: memref<160000xi32, #tpu.memory_space<hbm>>, %arg4: memref<160000x64xf32, #tpu.memory_space<hbm>>, %arg5: memref<1000xi32, #tpu.memory_space<vmem>>, %arg6: memref<1000x64xf32, #tpu.memory_space<vmem>>, %arg7: memref<!tpu.dma_semaphore, #tpu.memory_space<semaphore_mem>>) attributes {dimension_semantics = [#tpu.dimension_semantics<core_parallel>, #tpu.dimension_semantics<subcore_parallel>], iteration_bounds = array<i64: 2, 16>, scalar_prefetch = 0 : i64, scratch_operands = 3 : i64, tpu.core_type = #tpu.core_type<sc_vector_subcore>, window_params = [{transform_indices = #map}, {transform_indices = #map1}, {transform_indices = #map}]} {
    %mul3A = arith.constant 2 : i32
    %mul3A_0 = arith.muli %arg1, %mul3A : i32
    %add3A = arith.addi %mul3A_0, %arg0 : i32
    %mul3A_1 = arith.constant 5000 : i32
    %mul3A_2 = arith.muli %add3A, %mul3A_1 : i32
    %scan3A = arith.constant 0 : i32
    %scan3A_3 = arith.constant 0 : i32
    %scan3A_4 = arith.constant 5 : i32
    %scan3A_5 = arith.addi %scan3A_3, %scan3A_4 : i32
    %scan3A_6 = arith.constant 1 : i32
    scf.for %scan3A_8 = %scan3A_3 to %scan3A_5 step %scan3A_6  : i32 {
      %mul3A_9 = arith.constant 1000 : i32
      %mul3A_10 = arith.muli %scan3A_8, %mul3A_9 : i32
      %add3A_11 = arith.addi %mul3A_2, %mul3A_10 : i32
      "tpu.region"() ({
        %run_scoped3A = tpu.sem_alloc : memref<!tpu.dma_semaphore, #tpu.memory_space<semaphore_mem>>
        %dma_start3A_16 = tpu.memref_slice %arg3[%add3A_11] : memref<160000xi32, #tpu.memory_space<hbm>> -> memref<1000xi32, #tpu.memory_space<hbm>>
        %dma_start3A_17 = tpu.memref_slice %arg3[%add3A_11] : memref<160000xi32, #tpu.memory_space<hbm>> -> memref<1000xi32, #tpu.memory_space<hbm>>
        tpu.enqueue_dma source(%dma_start3A_17 : memref<1000xi32, #tpu.memory_space<hbm>>) target(%arg5 : memref<1000xi32, #tpu.memory_space<vmem>>) target_semaphore(%run_scoped3A : memref<!tpu.dma_semaphore, #tpu.memory_space<semaphore_mem>>)
        %dma_wait3A_18 = tpu.memref_slice %arg3[%add3A_11] : memref<160000xi32, #tpu.memory_space<hbm>> -> memref<1000xi32, #tpu.memory_space<hbm>>
        %dma_wait3A_19 = tpu.memref_slice %arg3[%add3A_11] : memref<160000xi32, #tpu.memory_space<hbm>> -> memref<1000xi32, #tpu.memory_space<hbm>>
        tpu.wait_dma2 semaphore(%run_scoped3A : memref<!tpu.dma_semaphore, #tpu.memory_space<semaphore_mem>>) src(%dma_wait3A_19 : memref<1000xi32, #tpu.memory_space<hbm>>) dst(%arg5 : memref<1000xi32, #tpu.memory_space<vmem>>)
        tpu.yield
      }) : () -> ()
      %dma_start3A = arith.constant 0 : i32
      %dma_start3A_12 = arith.constant 0 : i32
      %dma_start3A_13 = tpu.memref_slice %arg2[%dma_start3A, %dma_start3A_12] : memref<10000x64xf32, #tpu.memory_space<hbm>> -> memref<10000x64xf32, #tpu.memory_space<hbm>>
      tpu.enqueue_indirect_dma source(%dma_start3A_13 : memref<10000x64xf32, #tpu.memory_space<hbm>>) target(%arg6 : memref<1000x64xf32, #tpu.memory_space<vmem>>) offsets(%arg5 : memref<1000xi32, #tpu.memory_space<vmem>>) semaphore(%arg7 : memref<!tpu.dma_semaphore, #tpu.memory_space<semaphore_mem>>)
      %dma_wait3A = arith.constant 0 : i32
      %dma_wait3A_14 = arith.constant 0 : i32
      %dma_wait3A_15 = tpu.memref_slice %arg2[%dma_wait3A, %dma_wait3A_14] : memref<10000x64xf32, #tpu.memory_space<hbm>> -> memref<10000x64xf32, #tpu.memory_space<hbm>>
      tpu.wait_indirect_dma semaphore(%arg7 : memref<!tpu.dma_semaphore, #tpu.memory_space<semaphore_mem>>) src(%dma_wait3A_15 : memref<10000x64xf32, #tpu.memory_space<hbm>>) dst(%arg6 : memref<1000x64xf32, #tpu.memory_space<vmem>>)
      "tpu.region"() ({
        %run_scoped3A = tpu.sem_alloc : memref<!tpu.dma_semaphore, #tpu.memory_space<semaphore_mem>>
        %dma_start3A_16 = arith.constant 0 : i32
        %dma_start3A_17 = tpu.memref_slice %arg4[%add3A_11, %dma_start3A_16] : memref<160000x64xf32, #tpu.memory_space<hbm>> -> memref<1000x64xf32, #tpu.memory_space<hbm>>
        %dma_start3A_18 = arith.constant 0 : i32
        %dma_start3A_19 = tpu.memref_slice %arg4[%add3A_11, %dma_start3A_18] : memref<160000x64xf32, #tpu.memory_space<hbm>> -> memref<1000x64xf32, #tpu.memory_space<hbm>>
        tpu.enqueue_dma source(%arg6 : memref<1000x64xf32, #tpu.memory_space<vmem>>) target(%dma_start3A_19 : memref<1000x64xf32, #tpu.memory_space<hbm>>) target_semaphore(%run_scoped3A : memref<!tpu.dma_semaphore, #tpu.memory_space<semaphore_mem>>)
        %dma_wait3A_20 = arith.constant 0 : i32
        %dma_wait3A_21 = tpu.memref_slice %arg4[%add3A_11, %dma_wait3A_20] : memref<160000x64xf32, #tpu.memory_space<hbm>> -> memref<1000x64xf32, #tpu.memory_space<hbm>>
        %dma_wait3A_22 = arith.constant 0 : i32
        %dma_wait3A_23 = tpu.memref_slice %arg4[%add3A_11, %dma_wait3A_22] : memref<160000x64xf32, #tpu.memory_space<hbm>> -> memref<1000x64xf32, #tpu.memory_space<hbm>>
        tpu.wait_dma2 semaphore(%run_scoped3A : memref<!tpu.dma_semaphore, #tpu.memory_space<semaphore_mem>>) src(%arg6 : memref<1000x64xf32, #tpu.memory_space<vmem>>) dst(%dma_wait3A_23 : memref<1000x64xf32, #tpu.memory_space<hbm>>)
        tpu.yield
      }) : () -> ()
    }
    %scan3A_7 = arith.constant 5 : i32
    return
  }
}

#map = affine_map<(d0, d1) -> (0, 0)>
#map1 = affine_map<(d0, d1) -> (0)>
module attributes {stable_mosaic.version = 14 : i64} {
  func.func @body(%arg0: i32, %arg1: i32, %arg2: memref<10000x64xf32, #tpu.memory_space<hbm>>, %arg3: memref<160000xi32, #tpu.memory_space<hbm>>, %arg4: memref<160000x64xf32, #tpu.memory_space<hbm>>, %arg5: memref<1000xi32, #tpu.memory_space<vmem>>, %arg6: memref<1000x64xf32, #tpu.memory_space<vmem>>, %arg7: memref<!tpu.dma_semaphore, #tpu.memory_space<semaphore_mem>>) attributes {dimension_semantics = [#tpu.dimension_semantics<core_parallel>, #tpu.dimension_semantics<subcore_parallel>], iteration_bounds = array<i64: 2, 16>, scalar_prefetch = 0 : i64, scratch_operands = 3 : i64, tpu.core_type = #tpu.core_type<sc_vector_subcore>, window_params = [{transform_indices = #map}, {transform_indices = #map1}, {transform_indices = #map}]} {
    %mul3A = arith.constant 2 : i32
    %mul3A_0 = arith.muli %arg1, %mul3A : i32
    %add3A = arith.addi %mul3A_0, %arg0 : i32
    %mul3A_1 = arith.constant 5000 : i32
    %mul3A_2 = arith.muli %add3A, %mul3A_1 : i32
    %scan3A = arith.constant 0 : i32
    %scan3A_3 = arith.constant 0 : i32
    %scan3A_4 = arith.constant 5 : i32
    %scan3A_5 = arith.addi %scan3A_3, %scan3A_4 : i32
    %scan3A_6 = arith.constant 1 : i32
    scf.for %scan3A_8 = %scan3A_3 to %scan3A_5 step %scan3A_6  : i32 {
      %mul3A_9 = arith.constant 1000 : i32
      %mul3A_10 = arith.muli %scan3A_8, %mul3A_9 : i32
      %add3A_11 = arith.addi %mul3A_2, %mul3A_10 : i32
      "tpu.region"() ({
        %run_scoped3A = tpu.sem_alloc : memref<!tpu.dma_semaphore, #tpu.memory_space<semaphore_mem>>
        %dma_start3A_16 = tpu.memref_slice %arg3[%add3A_11] : memref<160000xi32, #tpu.memory_space<hbm>> -> memref<1000xi32, #tpu.memory_space<hbm>>
        %dma_start3A_17 = tpu.memref_slice %arg3[%add3A_11] : memref<160000xi32, #tpu.memory_space<hbm>> -> memref<1000xi32, #tpu.memory_space<hbm>>
        tpu.enqueue_dma source(%dma_start3A_17 : memref<1000xi32, #tpu.memory_space<hbm>>) target(%arg5 : memref<1000xi32, #tpu.memory_space<vmem>>) target_semaphore(%run_scoped3A : memref<!tpu.dma_semaphore, #tpu.memory_space<semaphore_mem>>)
        %dma_wait3A_18 = tpu.memref_slice %arg3[%add3A_11] : memref<160000xi32, #tpu.memory_space<hbm>> -> memref<1000xi32, #tpu.memory_space<hbm>>
        %dma_wait3A_19 = tpu.memref_slice %arg3[%add3A_11] : memref<160000xi32, #tpu.memory_space<hbm>> -> memref<1000xi32, #tpu.memory_space<hbm>>
        tpu.wait_dma2 semaphore(%run_scoped3A : memref<!tpu.dma_semaphore, #tpu.memory_space<semaphore_mem>>) src(%dma_wait3A_19 : memref<1000xi32, #tpu.memory_space<hbm>>) dst(%arg5 : memref<1000xi32, #tpu.memory_space<vmem>>)
        tpu.yield
      }) : () -> ()
      %dma_start3A = arith.constant 0 : i32
      %dma_start3A_12 = arith.constant 0 : i32
      %dma_start3A_13 = tpu.memref_slice %arg2[%dma_start3A, %dma_start3A_12] : memref<10000x64xf32, #tpu.memory_space<hbm>> -> memref<10000x64xf32, #tpu.memory_space<hbm>>
      tpu.enqueue_indirect_dma source(%dma_start3A_13 : memref<10000x64xf32, #tpu.memory_space<hbm>>) target(%arg6 : memref<1000x64xf32, #tpu.memory_space<vmem>>) offsets(%arg5 : memref<1000xi32, #tpu.memory_space<vmem>>) semaphore(%arg7 : memref<!tpu.dma_semaphore, #tpu.memory_space<semaphore_mem>>)
      %dma_wait3A = arith.constant 0 : i32
      %dma_wait3A_14 = arith.constant 0 : i32
      %dma_wait3A_15 = tpu.memref_slice %arg2[%dma_wait3A, %dma_wait3A_14] : memref<10000x64xf32, #tpu.memory_space<hbm>> -> memref<10000x64xf32, #tpu.memory_space<hbm>>
      tpu.wait_indirect_dma semaphore(%arg7 : memref<!tpu.dma_semaphore, #tpu.memory_space<semaphore_mem>>) src(%dma_wait3A_15 : memref<10000x64xf32, #tpu.memory_space<hbm>>) dst(%arg6 : memref<1000x64xf32, #tpu.memory_space<vmem>>)
      "tpu.region"() ({
        %run_scoped3A = tpu.sem_alloc : memref<!tpu.dma_semaphore, #tpu.memory_space<semaphore_mem>>
        %dma_start3A_16 = arith.constant 0 : i32
        %dma_start3A_17 = tpu.memref_slice %arg4[%add3A_11, %dma_start3A_16] : memref<160000x64xf32, #tpu.memory_space<hbm>> -> memref<1000x64xf32, #tpu.memory_space<hbm>>
        %dma_start3A_18 = arith.constant 0 : i32
        %dma_start3A_19 = tpu.memref_slice %arg4[%add3A_11, %dma_start3A_18] : memref<160000x64xf32, #tpu.memory_space<hbm>> -> memref<1000x64xf32, #tpu.memory_space<hbm>>
        tpu.enqueue_dma source(%arg6 : memref<1000x64xf32, #tpu.memory_space<vmem>>) target(%dma_start3A_19 : memref<1000x64xf32, #tpu.memory_space<hbm>>) target_semaphore(%run_scoped3A : memref<!tpu.dma_semaphore, #tpu.memory_space<semaphore_mem>>)
        %dma_wait3A_20 = arith.constant 0 : i32
        %dma_wait3A_21 = tpu.memref_slice %arg4[%add3A_11, %dma_wait3A_20] : memref<160000x64xf32, #tpu.memory_space<hbm>> -> memref<1000x64xf32, #tpu.memory_space<hbm>>
        %dma_wait3A_22 = arith.constant 0 : i32
        %dma_wait3A_23 = tpu.memref_slice %arg4[%add3A_11, %dma_wait3A_22] : memref<160000x64xf32, #tpu.memory_space<hbm>> -> memref<1000x64xf32, #tpu.memory_space<hbm>>
        tpu.wait_dma2 semaphore(%run_scoped3A : memref<!tpu.dma_semaphore, #tpu.memory_space<semaphore_mem>>) src(%arg6 : memref<1000x64xf32, #tpu.memory_space<vmem>>) dst(%dma_wait3A_23 : memref<1000x64xf32, #tpu.memory_space<hbm>>)
        tpu.yield
      }) : () -> ()
    }
    %scan3A_7 = arith.constant 5 : i32
    return
  }
}

module attributes {stable_mosaic.version = 14 : i64} {
  func.func @_embed_body(%arg0: i32, %arg1: memref<400x5xf32, #tpu.memory_space<vmem>>, %arg2: memref<5x64xf32, #tpu.memory_space<vmem>>, %arg3: memref<1x64xf32, #tpu.memory_space<vmem>>, %arg4: memref<5x64xf32, #tpu.memory_space<vmem>>, %arg5: memref<1x64xf32, #tpu.memory_space<vmem>>, %arg6: memref<400x64xf32, #tpu.memory_space<vmem>>) attributes {dimension_semantics = [#tpu.dimension_semantics<arbitrary>], iteration_bounds = array<i64: 25>, scalar_prefetch = 0 : i64, scratch_operands = 0 : i64, tpu.core_type = #tpu.core_type<tc>, window_params = [{transform_indices = @transform_0, window_bounds = array<i64: 400, 5>}, {pipeline_mode = #tpu.pipeline_mode<synchronous>, transform_indices = @transform_1, window_bounds = array<i64: 5, 64>}, {pipeline_mode = #tpu.pipeline_mode<synchronous>, transform_indices = @transform_2, window_bounds = array<i64: 1, 64>}, {pipeline_mode = #tpu.pipeline_mode<synchronous>, transform_indices = @transform_3, window_bounds = array<i64: 5, 64>}, {pipeline_mode = #tpu.pipeline_mode<synchronous>, transform_indices = @transform_4, window_bounds = array<i64: 1, 64>}, {transform_indices = @transform_5, window_bounds = array<i64: 400, 64>}]} {
    %lt3A = arith.constant 20 : i32
    %lt3A_0 = arith.cmpi slt, %arg0, %lt3A : i32
    %get3A = arith.constant 0 : index
    %get3A_1 = arith.constant 0 : index
    %get3A_2 = vector.load %arg2[%get3A, %get3A_1] : memref<5x64xf32, #tpu.memory_space<vmem>>, vector<5x64xf32>
    %get3A_3 = arith.constant 0 : index
    %get3A_4 = arith.constant 0 : index
    %get3A_5 = vector.load %arg4[%get3A_3, %get3A_4] : memref<5x64xf32, #tpu.memory_space<vmem>>, vector<5x64xf32>
    %select_n3A = arith.select %lt3A_0, %get3A_2, %get3A_5 : vector<5x64xf32>
    %get3A_6 = arith.constant 0 : index
    %get3A_7 = arith.constant 0 : index
    %get3A_8 = vector.load %arg3[%get3A_6, %get3A_7] : memref<1x64xf32, #tpu.memory_space<vmem>>, vector<1x64xf32>
    %get3A_9 = arith.constant 0 : index
    %get3A_10 = arith.constant 0 : index
    %get3A_11 = vector.load %arg5[%get3A_9, %get3A_10] : memref<1x64xf32, #tpu.memory_space<vmem>>, vector<1x64xf32>
    %select_n3A_12 = arith.select %lt3A_0, %get3A_8, %get3A_11 : vector<1x64xf32>
    %get3A_13 = arith.constant 0 : index
    %get3A_14 = arith.constant 0 : index
    %get3A_15 = vector.load %arg1[%get3A_13, %get3A_14] : memref<400x5xf32, #tpu.memory_space<vmem>>, vector<400x5xf32>
    %dot_general3A = arith.constant dense<0.000000e+00> : vector<400x64xf32>
    %dot_general3A_16 = tpu.matmul %get3A_15, %select_n3A, %dot_general3A {dimension_numbers = #tpu.dot_dimension_numbers<[1], [0], [0], [1], [0, 0, 1, 1], [], []>, transpose_lhs_hint = false} : vector<400x5xf32>, vector<5x64xf32>, vector<400x64xf32> -> vector<400x64xf32>
    %add3A = vector.broadcast %select_n3A_12 : vector<1x64xf32> to vector<400x64xf32>
    %add3A_17 = arith.addf %dot_general3A_16, %add3A : vector<400x64xf32>
    %gt3A = arith.constant 0.000000e+00 : f32
    %gt3A_18 = vector.broadcast %gt3A : f32 to vector<400x64xf32>
    %gt3A_19 = arith.cmpf ogt, %add3A_17, %gt3A_18 : vector<400x64xf32>
    %min3A = arith.constant 0.000000e+00 : f32
    %min3A_20 = vector.broadcast %min3A : f32 to vector<400x64xf32>
    %min3A_21 = arith.minimumf %add3A_17, %min3A_20 : vector<400x64xf32>
    %mul3A = arith.constant 1.98412701E-4 : f32
    %mul3A_22 = vector.broadcast %mul3A : f32 to vector<400x64xf32>
    %mul3A_23 = arith.mulf %min3A_21, %mul3A_22 : vector<400x64xf32>
    %add3A_24 = arith.constant 0.00138888892 : f32
    %add3A_25 = vector.broadcast %add3A_24 : f32 to vector<400x64xf32>
    %add3A_26 = arith.addf %add3A_25, %mul3A_23 : vector<400x64xf32>
    %mul3A_27 = arith.mulf %min3A_21, %add3A_26 : vector<400x64xf32>
    %add3A_28 = arith.constant 0.00833333377 : f32
    %add3A_29 = vector.broadcast %add3A_28 : f32 to vector<400x64xf32>
    %add3A_30 = arith.addf %add3A_29, %mul3A_27 : vector<400x64xf32>
    %mul3A_31 = arith.mulf %min3A_21, %add3A_30 : vector<400x64xf32>
    %add3A_32 = arith.constant 0.0416666679 : f32
    %add3A_33 = vector.broadcast %add3A_32 : f32 to vector<400x64xf32>
    %add3A_34 = arith.addf %add3A_33, %mul3A_31 : vector<400x64xf32>
    %mul3A_35 = arith.mulf %min3A_21, %add3A_34 : vector<400x64xf32>
    %add3A_36 = arith.constant 0.166666672 : f32
    %add3A_37 = vector.broadcast %add3A_36 : f32 to vector<400x64xf32>
    %add3A_38 = arith.addf %add3A_37, %mul3A_35 : vector<400x64xf32>
    %mul3A_39 = arith.mulf %min3A_21, %add3A_38 : vector<400x64xf32>
    %add3A_40 = arith.constant 5.000000e-01 : f32
    %add3A_41 = vector.broadcast %add3A_40 : f32 to vector<400x64xf32>
    %add3A_42 = arith.addf %add3A_41, %mul3A_39 : vector<400x64xf32>
    %mul3A_43 = arith.mulf %min3A_21, %add3A_42 : vector<400x64xf32>
    %add3A_44 = arith.constant 1.000000e+00 : f32
    %add3A_45 = vector.broadcast %add3A_44 : f32 to vector<400x64xf32>
    %add3A_46 = arith.addf %add3A_45, %mul3A_43 : vector<400x64xf32>
    %mul3A_47 = arith.mulf %min3A_21, %add3A_46 : vector<400x64xf32>
    %lt3A_48 = arith.constant -3.500000e-01 : f32
    %lt3A_49 = vector.broadcast %lt3A_48 : f32 to vector<400x64xf32>
    %lt3A_50 = arith.cmpf olt, %min3A_21, %lt3A_49 : vector<400x64xf32>
    %exp3A = math.exp %min3A_21 : vector<400x64xf32>
    %sub3A = arith.constant 1.000000e+00 : f32
    %sub3A_51 = vector.broadcast %sub3A : f32 to vector<400x64xf32>
    %sub3A_52 = arith.subf %exp3A, %sub3A_51 : vector<400x64xf32>
    %select_n3A_53 = arith.select %lt3A_50, %sub3A_52, %mul3A_47 : vector<400x64xi1>, vector<400x64xf32>
    %select_n3A_54 = arith.select %gt3A_19, %add3A_17, %select_n3A_53 : vector<400x64xi1>, vector<400x64xf32>
    %swap3A = arith.constant 0 : index
    %swap3A_55 = arith.constant 0 : index
    %swap3A_56 = vector.load %arg6[%swap3A, %swap3A_55] : memref<400x64xf32, #tpu.memory_space<vmem>>, vector<400x64xf32>
    tpu.vector_store %arg6[%swap3A, %swap3A_55], %select_n3A_54 {strides = array<i32>} : memref<400x64xf32, #tpu.memory_space<vmem>>, vector<400x64xf32>,
    return
  }
  func.func @transform_0(%arg0: i32) -> (i32, i32) {
    %c0_i32 = arith.constant 0 : i32
    %c0_i32_0 = arith.constant 0 : i32
    return %arg0, %c0_i32 : i32, i32
  }
  func.func @transform_1(%arg0: i32) -> (i32, i32) {
    %c0_i32 = arith.constant 0 : i32
    %c0_i32_0 = arith.constant 0 : i32
    %c0_i32_1 = arith.constant 0 : i32
    return %c0_i32, %c0_i32_0 : i32, i32
  }
  func.func @transform_2(%arg0: i32) -> (i32, i32) {
    %c0_i32 = arith.constant 0 : i32
    %c0_i32_0 = arith.constant 0 : i32
    %c0_i32_1 = arith.constant 0 : i32
    return %c0_i32, %c0_i32_0 : i32, i32
  }
  func.func @transform_3(%arg0: i32) -> (i32, i32) {
    %c0_i32 = arith.constant 0 : i32
    %c0_i32_0 = arith.constant 0 : i32
    %c0_i32_1 = arith.constant 0 : i32
    return %c0_i32, %c0_i32_0 : i32, i32
  }
  func.func @transform_4(%arg0: i32) -> (i32, i32) {
    %c0_i32 = arith.constant 0 : i32
    %c0_i32_0 = arith.constant 0 : i32
    %c0_i32_1 = arith.constant 0 : i32
    return %c0_i32, %c0_i32_0 : i32, i32
  }
  func.func @transform_5(%arg0: i32) -> (i32, i32) {
    %c0_i32 = arith.constant 0 : i32
    %c0_i32_0 = arith.constant 0 : i32
    return %arg0, %c0_i32 : i32, i32
  }
}

module attributes {stable_mosaic.version = 14 : i64} {
  func.func @_prep_body(%arg0: i32, %arg1: memref<400x64xf32, #tpu.memory_space<vmem>>, %arg2: memref<400x1xf32, #tpu.memory_space<vmem>>) attributes {dimension_semantics = [#tpu.dimension_semantics<arbitrary>], iteration_bounds = array<i64: 25>, scalar_prefetch = 0 : i64, scratch_operands = 0 : i64, tpu.core_type = #tpu.core_type<tc>, window_params = [{transform_indices = @transform_0, window_bounds = array<i64: 400, 64>}, {transform_indices = @transform_1, window_bounds = array<i64: 400, 1>}]} {
    %get3A = arith.constant 0 : index
    %get3A_0 = arith.constant 0 : index
    %get3A_1 = vector.load %arg1[%get3A, %get3A_0] : memref<400x64xf32, #tpu.memory_space<vmem>>, vector<400x64xf32>
    %mul3A = arith.mulf %get3A_1, %get3A_1 : vector<400x64xf32>
    %reduce_sum3A = arith.constant dense<0.000000e+00> : vector<400xf32>
    %reduce_sum3A_2 = vector.multi_reduction <add>, %mul3A, %reduce_sum3A [1] : vector<400x64xf32> to vector<400xf32>
    %broadcast_in_dim3A = vector.shape_cast %reduce_sum3A_2 : vector<400xf32> to vector<400x1xf32>
    %swap3A = arith.constant 0 : index
    %swap3A_3 = arith.constant 0 : index
    %swap3A_4 = vector.load %arg2[%swap3A, %swap3A_3] : memref<400x1xf32, #tpu.memory_space<vmem>>, vector<400x1xf32>
    tpu.vector_store %arg2[%swap3A, %swap3A_3], %broadcast_in_dim3A {strides = array<i32>} : memref<400x1xf32, #tpu.memory_space<vmem>>, vector<400x1xf32>,
    return
  }
  func.func @transform_0(%arg0: i32) -> (i32, i32) {
    %c0_i32 = arith.constant 0 : i32
    %c0_i32_0 = arith.constant 0 : i32
    return %arg0, %c0_i32 : i32, i32
  }
  func.func @transform_1(%arg0: i32) -> (i32, i32) {
    %c0_i32 = arith.constant 0 : i32
    %c0_i32_0 = arith.constant 0 : i32
    return %arg0, %c0_i32 : i32, i32
  }
}

module attributes {stable_mosaic.version = 14 : i64} {
  func.func @_knn_body(%arg0: i32, %arg1: memref<2x25xi32, #tpu.memory_space<smem>>, %arg2: memref<400x64xf32, #tpu.memory_space<vmem>>, %arg3: memref<10752x64xf32, #tpu.memory_space<vmem>>, %arg4: memref<1x10752xf32, #tpu.memory_space<vmem>>, %arg5: memref<400x1xf32, #tpu.memory_space<vmem>>, %arg6: memref<400x1xi32, #tpu.memory_space<vmem>>, %arg7: memref<1x10752xi32, #tpu.memory_space<vmem>>, %arg8: memref<400x16xi32, #tpu.memory_space<vmem>>) attributes {dimension_semantics = [#tpu.dimension_semantics<arbitrary>], iteration_bounds = array<i64: 25>, scalar_prefetch = 1 : i64, scratch_operands = 0 : i64, tpu.core_type = #tpu.core_type<tc>, window_params = [{transform_indices = @transform_0, window_bounds = array<i64: 400, 64>}, {pipeline_mode = #tpu.pipeline_mode<synchronous>, transform_indices = @transform_1, window_bounds = array<i64: 10752, 64>}, {pipeline_mode = #tpu.pipeline_mode<synchronous>, transform_indices = @transform_2, window_bounds = array<i64: 1, 10752>}, {transform_indices = @transform_3, window_bounds = array<i64: 400, 1>}, {transform_indices = @transform_4, window_bounds = array<i64: 400, 1>}, {pipeline_mode = #tpu.pipeline_mode<synchronous>, transform_indices = @transform_5, window_bounds = array<i64: 1, 10752>}, {transform_indices = @transform_6, window_bounds = array<i64: 400, 16>}]} {
    %get3A = arith.constant 0 : index
    %get3A_0 = arith.index_cast %arg0 : i32 to index
    %get3A_1 = memref.load %arg1[%get3A, %get3A_0] : memref<2x25xi32, #tpu.memory_space<smem>>
    %get3A_2 = arith.constant 1 : index
    %get3A_3 = arith.index_cast %arg0 : i32 to index
    %get3A_4 = memref.load %arg1[%get3A_2, %get3A_3] : memref<2x25xi32, #tpu.memory_space<smem>>
    %get3A_5 = arith.constant 0 : index
    %get3A_6 = arith.constant 0 : index
    %get3A_7 = vector.load %arg2[%get3A_5, %get3A_6] : memref<400x64xf32, #tpu.memory_space<vmem>>, vector<400x64xf32>
    %get3A_8 = arith.constant 0 : index
    %get3A_9 = arith.constant 0 : index
    %get3A_10 = vector.load %arg5[%get3A_8, %get3A_9] : memref<400x1xf32, #tpu.memory_space<vmem>>, vector<400x1xf32>
    %get3A_11 = arith.constant 0 : index
    %get3A_12 = arith.constant 0 : index
    %get3A_13 = vector.load %arg6[%get3A_11, %get3A_12] : memref<400x1xi32, #tpu.memory_space<vmem>>, vector<400x1xi32>
    %iota3A = tpu.iota {dimensions = array<i32: 1>} : vector<400x16xi32>
    %broadcast_in_dim3A = arith.constant 0x7F800000 : f32
    %broadcast_in_dim3A_14 = vector.broadcast %broadcast_in_dim3A : f32 to vector<400x16xf32>
    %broadcast_in_dim3A_15 = arith.constant 1073741824 : i32
    %broadcast_in_dim3A_16 = vector.broadcast %broadcast_in_dim3A_15 : i32 to vector<400x16xi32>
    %while3A = arith.constant 0 : i32
    %while3A_17 = arith.subi %get3A_4, %while3A : i32
    %while3A_18 = arith.addi %while3A, %while3A_17 : i32
    %while3A_19 = arith.constant 1 : i32
    %while3A_20 = arith.divsi %while3A_17, %while3A_19 : i32
    %while3A_21 = arith.muli %while3A_20, %while3A_19 : i32
    %while3A_22 = arith.addi %while3A, %while3A_21 : i32
    %while3A_23 = arith.constant 1 : i32
    %while3A_24:2 = scf.for %while3A_32 = %while3A to %while3A_22 step %while3A_23 iter_args(%while3A_33 = %broadcast_in_dim3A_14, %while3A_34 = %broadcast_in_dim3A_16) -> (vector<400x16xf32>, vector<400x16xi32>)  : i32 {
      %mul3A = arith.constant 512 : i32
      %mul3A_35 = arith.muli %while3A_32, %mul3A : i32
      %add3A = arith.addi %get3A_1, %mul3A_35 : i32
      %multiple_of3A = tpu.assume_multiple %add3A, 128 : i32
      %get3A_36 = arith.index_cast %multiple_of3A : i32 to index
      %get3A_37 = arith.constant 0 : index
      %get3A_38 = vector.load %arg3[%get3A_36, %get3A_37] : memref<10752x64xf32, #tpu.memory_space<vmem>>, vector<512x64xf32>
      %get3A_39 = arith.constant 0 : index
      %get3A_40 = arith.index_cast %multiple_of3A : i32 to index
      %get3A_41 = vector.load %arg4[%get3A_39, %get3A_40] : memref<1x10752xf32, #tpu.memory_space<vmem>>, vector<1x512xf32>
      %get3A_42 = arith.constant 0 : index
      %get3A_43 = arith.index_cast %multiple_of3A : i32 to index
      %get3A_44 = vector.load %arg7[%get3A_42, %get3A_43] : memref<1x10752xi32, #tpu.memory_space<vmem>>, vector<1x512xi32>
      %dot_general3A = arith.constant dense<0.000000e+00> : vector<400x512xf32>
      %dot_general3A_45 = tpu.matmul %get3A_7, %get3A_38, %dot_general3A {dimension_numbers = #tpu.dot_dimension_numbers<[1], [1], [0], [0], [0, 0, 1, 0], [], []>, transpose_lhs_hint = false} : vector<400x64xf32>, vector<512x64xf32>, vector<400x512xf32> -> vector<400x512xf32>
      %mul3A_46 = arith.constant 2.000000e+00 : f32
      %mul3A_47 = vector.broadcast %mul3A_46 : f32 to vector<400x512xf32>
      %mul3A_48 = arith.mulf %mul3A_47, %dot_general3A_45 : vector<400x512xf32>
      %sub3A = vector.broadcast %get3A_10 : vector<400x1xf32> to vector<400x512xf32>
      %sub3A_49 = arith.subf %sub3A, %mul3A_48 : vector<400x512xf32>
      %add3A_50 = vector.broadcast %get3A_41 : vector<1x512xf32> to vector<400x512xf32>
      %add3A_51 = arith.addf %sub3A_49, %add3A_50 : vector<400x512xf32>
      %eq3A = vector.broadcast %get3A_13 : vector<400x1xi32> to vector<400x512xi32>
      %eq3A_52 = vector.broadcast %get3A_44 : vector<1x512xi32> to vector<400x512xi32>
      %eq3A_53 = arith.cmpi eq, %eq3A, %eq3A_52 : vector<400x512xi32>
      %jit3A_54 = arith.constant 0x7F800000 : f32
      %broadcast_in_dim3A_55 = vector.broadcast %jit3A_54 : f32 to vector<400x512xf32>
      %select_n3A = arith.select %eq3A_53, %add3A_51, %broadcast_in_dim3A_55 : vector<400x512xi1>, vector<400x512xf32>
      %iota3A_56 = tpu.iota {dimensions = array<i32: 1>} : vector<400x512xi32>
      %add3A_57 = vector.broadcast %multiple_of3A : i32 to vector<400x512xi32>
      %add3A_58 = arith.addi %add3A_57, %iota3A_56 : vector<400x512xi32>
      %concatenate3A = tpu.concatenate %while3A_33, %select_n3A in 1 : vector<400x16xf32>, vector<400x512xf32> -> vector<400x528xf32>
      %concatenate3A_59 = tpu.concatenate %while3A_34, %add3A_58 in 1 : vector<400x16xi32>, vector<400x512xi32> -> vector<400x528xi32>
      %reduce_min3A = arith.constant dense<0x7F800000> : vector<400xf32>
      %reduce_min3A_60 = vector.multi_reduction <minimumf>, %concatenate3A, %reduce_min3A [1] : vector<400x528xf32> to vector<400xf32>
      %broadcast_in_dim3A_61 = vector.shape_cast %reduce_min3A_60 : vector<400xf32> to vector<400x1xf32>
      %eq3A_62 = vector.broadcast %broadcast_in_dim3A_61 : vector<400x1xf32> to vector<400x528xf32>
      %eq3A_63 = arith.cmpf oeq, %concatenate3A, %eq3A_62 : vector<400x528xf32>
      %jit3A_64 = arith.constant 1073741824 : i32
      %broadcast_in_dim3A_65 = vector.broadcast %jit3A_64 : i32 to vector<400x528xi32>
      %select_n3A_66 = arith.select %eq3A_63, %concatenate3A_59, %broadcast_in_dim3A_65 : vector<400x528xi1>, vector<400x528xi32>
      %reduce_min3A_67 = arith.constant dense<2147483647> : vector<400xi32>
      %reduce_min3A_68 = vector.multi_reduction <minsi>, %select_n3A_66, %reduce_min3A_67 [1] : vector<400x528xi32> to vector<400xi32>
      %broadcast_in_dim3A_69 = vector.shape_cast %reduce_min3A_68 : vector<400xi32> to vector<400x1xi32>
      %eq3A_70 = arith.constant 0 : i32
      %eq3A_71 = vector.broadcast %eq3A_70 : i32 to vector<400x16xi32>
      %eq3A_72 = arith.cmpi eq, %iota3A, %eq3A_71 : vector<400x16xi32>
      %broadcast_in_dim3A_73 = vector.shape_cast %broadcast_in_dim3A_61 : vector<400x1xf32> to vector<400x1xf32>
      %broadcast_in_dim3A_74 = vector.broadcast %broadcast_in_dim3A_73 : vector<400x1xf32> to vector<400x16xf32>
      %select_n3A_75 = arith.select %eq3A_72, %broadcast_in_dim3A_74, %while3A_33 : vector<400x16xi1>, vector<400x16xf32>
      %eq3A_76 = arith.constant 0 : i32
      %eq3A_77 = vector.broadcast %eq3A_76 : i32 to vector<400x16xi32>
      %eq3A_78 = arith.cmpi eq, %iota3A, %eq3A_77 : vector<400x16xi32>
      %broadcast_in_dim3A_79 = vector.shape_cast %broadcast_in_dim3A_69 : vector<400x1xi32> to vector<400x1xi32>
      %broadcast_in_dim3A_80 = vector.broadcast %broadcast_in_dim3A_79 : vector<400x1xi32> to vector<400x16xi32>
      %select_n3A_81 = arith.select %eq3A_78, %broadcast_in_dim3A_80, %while3A_34 : vector<400x16xi1>, vector<400x16xi32>
      %eq3A_82 = vector.broadcast %broadcast_in_dim3A_69 : vector<400x1xi32> to vector<400x528xi32>
      %eq3A_83 = arith.cmpi eq, %concatenate3A_59, %eq3A_82 : vector<400x528xi32>
      %jit3A_84 = arith.constant 0x7F800000 : f32
      %broadcast_in_dim3A_85 = vector.broadcast %jit3A_84 : f32 to vector<400x528xf32>
      %select_n3A_86 = arith.select %eq3A_83, %broadcast_in_dim3A_85, %concatenate3A : vector<400x528xi1>, vector<400x528xf32>
      %reduce_min3A_87 = arith.constant dense<0x7F800000> : vector<400xf32>
      %reduce_min3A_88 = vector.multi_reduction <minimumf>, %select_n3A_86, %reduce_min3A_87 [1] : vector<400x528xf32> to vector<400xf32>
      %broadcast_in_dim3A_89 = vector.shape_cast %reduce_min3A_88 : vector<400xf32> to vector<400x1xf32>
      %eq3A_90 = vector.broadcast %broadcast_in_dim3A_89 : vector<400x1xf32> to vector<400x528xf32>
      %eq3A_91 = arith.cmpf oeq, %select_n3A_86, %eq3A_90 : vector<400x528xf32>
      %jit3A_92 = arith.constant 1073741824 : i32
      %broadcast_in_dim3A_93 = vector.broadcast %jit3A_92 : i32 to vector<400x528xi32>
      %select_n3A_94 = arith.select %eq3A_91, %concatenate3A_59, %broadcast_in_dim3A_93 : vector<400x528xi1>, vector<400x528xi32>
      %reduce_min3A_95 = arith.constant dense<2147483647> : vector<400xi32>
      %reduce_min3A_96 = vector.multi_reduction <minsi>, %select_n3A_94, %reduce_min3A_95 [1] : vector<400x528xi32> to vector<400xi32>
      %broadcast_in_dim3A_97 = vector.shape_cast %reduce_min3A_96 : vector<400xi32> to vector<400x1xi32>
      %eq3A_98 = arith.constant 1 : i32
      %eq3A_99 = vector.broadcast %eq3A_98 : i32 to vector<400x16xi32>
      %eq3A_100 = arith.cmpi eq, %iota3A, %eq3A_99 : vector<400x16xi32>
      %broadcast_in_dim3A_101 = vector.shape_cast %broadcast_in_dim3A_89 : vector<400x1xf32> to vector<400x1xf32>
      %broadcast_in_dim3A_102 = vector.broadcast %broadcast_in_dim3A_101 : vector<400x1xf32> to vector<400x16xf32>
      %select_n3A_103 = arith.select %eq3A_100, %broadcast_in_dim3A_102, %select_n3A_75 : vector<400x16xi1>, vector<400x16xf32>
      %eq3A_104 = arith.constant 1 : i32
      %eq3A_105 = vector.broadcast %eq3A_104 : i32 to vector<400x16xi32>
      %eq3A_106 = arith.cmpi eq, %iota3A, %eq3A_105 : vector<400x16xi32>
      %broadcast_in_dim3A_107 = vector.shape_cast %broadcast_in_dim3A_97 : vector<400x1xi32> to vector<400x1xi32>
      %broadcast_in_dim3A_108 = vector.broadcast %broadcast_in_dim3A_107 : vector<400x1xi32> to vector<400x16xi32>
      %select_n3A_109 = arith.select %eq3A_106, %broadcast_in_dim3A_108, %select_n3A_81 : vector<400x16xi1>, vector<400x16xi32>
      %eq3A_110 = vector.broadcast %broadcast_in_dim3A_97 : vector<400x1xi32> to vector<400x528xi32>
      %eq3A_111 = arith.cmpi eq, %concatenate3A_59, %eq3A_110 : vector<400x528xi32>
      %jit3A_112 = arith.constant 0x7F800000 : f32
      %broadcast_in_dim3A_113 = vector.broadcast %jit3A_112 : f32 to vector<400x528xf32>
      %select_n3A_114 = arith.select %eq3A_111, %broadcast_in_dim3A_113, %select_n3A_86 : vector<400x528xi1>, vector<400x528xf32>
      %reduce_min3A_115 = arith.constant dense<0x7F800000> : vector<400xf32>
      %reduce_min3A_116 = vector.multi_reduction <minimumf>, %select_n3A_114, %reduce_min3A_115 [1] : vector<400x528xf32> to vector<400xf32>
      %broadcast_in_dim3A_117 = vector.shape_cast %reduce_min3A_116 : vector<400xf32> to vector<400x1xf32>
      %eq3A_118 = vector.broadcast %broadcast_in_dim3A_117 : vector<400x1xf32> to vector<400x528xf32>
      %eq3A_119 = arith.cmpf oeq, %select_n3A_114, %eq3A_118 : vector<400x528xf32>
      %jit3A_120 = arith.constant 1073741824 : i32
      %broadcast_in_dim3A_121 = vector.broadcast %jit3A_120 : i32 to vector<400x528xi32>
      %select_n3A_122 = arith.select %eq3A_119, %concatenate3A_59, %broadcast_in_dim3A_121 : vector<400x528xi1>, vector<400x528xi32>
      %reduce_min3A_123 = arith.constant dense<2147483647> : vector<400xi32>
      %reduce_min3A_124 = vector.multi_reduction <minsi>, %select_n3A_122, %reduce_min3A_123 [1] : vector<400x528xi32> to vector<400xi32>
      %broadcast_in_dim3A_125 = vector.shape_cast %reduce_min3A_124 : vector<400xi32> to vector<400x1xi32>
      %eq3A_126 = arith.constant 2 : i32
      %eq3A_127 = vector.broadcast %eq3A_126 : i32 to vector<400x16xi32>
      %eq3A_128 = arith.cmpi eq, %iota3A, %eq3A_127 : vector<400x16xi32>
      %broadcast_in_dim3A_129 = vector.shape_cast %broadcast_in_dim3A_117 : vector<400x1xf32> to vector<400x1xf32>
      %broadcast_in_dim3A_130 = vector.broadcast %broadcast_in_dim3A_129 : vector<400x1xf32> to vector<400x16xf32>
      %select_n3A_131 = arith.select %eq3A_128, %broadcast_in_dim3A_130, %select_n3A_103 : vector<400x16xi1>, vector<400x16xf32>
      %eq3A_132 = arith.constant 2 : i32
      %eq3A_133 = vector.broadcast %eq3A_132 : i32 to vector<400x16xi32>
      %eq3A_134 = arith.cmpi eq, %iota3A, %eq3A_133 : vector<400x16xi32>
      %broadcast_in_dim3A_135 = vector.shape_cast %broadcast_in_dim3A_125 : vector<400x1xi32> to vector<400x1xi32>
      %broadcast_in_dim3A_136 = vector.broadcast %broadcast_in_dim3A_135 : vector<400x1xi32> to vector<400x16xi32>
      %select_n3A_137 = arith.select %eq3A_134, %broadcast_in_dim3A_136, %select_n3A_109 : vector<400x16xi1>, vector<400x16xi32>
      %eq3A_138 = vector.broadcast %broadcast_in_dim3A_125 : vector<400x1xi32> to vector<400x528xi32>
      %eq3A_139 = arith.cmpi eq, %concatenate3A_59, %eq3A_138 : vector<400x528xi32>
      %jit3A_140 = arith.constant 0x7F800000 : f32
      %broadcast_in_dim3A_141 = vector.broadcast %jit3A_140 : f32 to vector<400x528xf32>
      %select_n3A_142 = arith.select %eq3A_139, %broadcast_in_dim3A_141, %select_n3A_114 : vector<400x528xi1>, vector<400x528xf32>
      %reduce_min3A_143 = arith.constant dense<0x7F800000> : vector<400xf32>
      %reduce_min3A_144 = vector.multi_reduction <minimumf>, %select_n3A_142, %reduce_min3A_143 [1] : vector<400x528xf32> to vector<400xf32>
      %broadcast_in_dim3A_145 = vector.shape_cast %reduce_min3A_144 : vector<400xf32> to vector<400x1xf32>
      %eq3A_146 = vector.broadcast %broadcast_in_dim3A_145 : vector<400x1xf32> to vector<400x528xf32>
      %eq3A_147 = arith.cmpf oeq, %select_n3A_142, %eq3A_146 : vector<400x528xf32>
      %jit3A_148 = arith.constant 1073741824 : i32
      %broadcast_in_dim3A_149 = vector.broadcast %jit3A_148 : i32 to vector<400x528xi32>
      %select_n3A_150 = arith.select %eq3A_147, %concatenate3A_59, %broadcast_in_dim3A_149 : vector<400x528xi1>, vector<400x528xi32>
      %reduce_min3A_151 = arith.constant dense<2147483647> : vector<400xi32>
      %reduce_min3A_152 = vector.multi_reduction <minsi>, %select_n3A_150, %reduce_min3A_151 [1] : vector<400x528xi32> to vector<400xi32>
      %broadcast_in_dim3A_153 = vector.shape_cast %reduce_min3A_152 : vector<400xi32> to vector<400x1xi32>
      %eq3A_154 = arith.constant 3 : i32
      %eq3A_155 = vector.broadcast %eq3A_154 : i32 to vector<400x16xi32>
      %eq3A_156 = arith.cmpi eq, %iota3A, %eq3A_155 : vector<400x16xi32>
      %broadcast_in_dim3A_157 = vector.shape_cast %broadcast_in_dim3A_145 : vector<400x1xf32> to vector<400x1xf32>
      %broadcast_in_dim3A_158 = vector.broadcast %broadcast_in_dim3A_157 : vector<400x1xf32> to vector<400x16xf32>
      %select_n3A_159 = arith.select %eq3A_156, %broadcast_in_dim3A_158, %select_n3A_131 : vector<400x16xi1>, vector<400x16xf32>
      %eq3A_160 = arith.constant 3 : i32
      %eq3A_161 = vector.broadcast %eq3A_160 : i32 to vector<400x16xi32>
      %eq3A_162 = arith.cmpi eq, %iota3A, %eq3A_161 : vector<400x16xi32>
      %broadcast_in_dim3A_163 = vector.shape_cast %broadcast_in_dim3A_153 : vector<400x1xi32> to vector<400x1xi32>
      %broadcast_in_dim3A_164 = vector.broadcast %broadcast_in_dim3A_163 : vector<400x1xi32> to vector<400x16xi32>
      %select_n3A_165 = arith.select %eq3A_162, %broadcast_in_dim3A_164, %select_n3A_137 : vector<400x16xi1>, vector<400x16xi32>
      %eq3A_166 = vector.broadcast %broadcast_in_dim3A_153 : vector<400x1xi32> to vector<400x528xi32>
      %eq3A_167 = arith.cmpi eq, %concatenate3A_59, %eq3A_166 : vector<400x528xi32>
      %jit3A_168 = arith.constant 0x7F800000 : f32
      %broadcast_in_dim3A_169 = vector.broadcast %jit3A_168 : f32 to vector<400x528xf32>
      %select_n3A_170 = arith.select %eq3A_167, %broadcast_in_dim3A_169, %select_n3A_142 : vector<400x528xi1>, vector<400x528xf32>
      %reduce_min3A_171 = arith.constant dense<0x7F800000> : vector<400xf32>
      %reduce_min3A_172 = vector.multi_reduction <minimumf>, %select_n3A_170, %reduce_min3A_171 [1] : vector<400x528xf32> to vector<400xf32>
      %broadcast_in_dim3A_173 = vector.shape_cast %reduce_min3A_172 : vector<400xf32> to vector<400x1xf32>
      %eq3A_174 = vector.broadcast %broadcast_in_dim3A_173 : vector<400x1xf32> to vector<400x528xf32>
      %eq3A_175 = arith.cmpf oeq, %select_n3A_170, %eq3A_174 : vector<400x528xf32>
      %jit3A_176 = arith.constant 1073741824 : i32
      %broadcast_in_dim3A_177 = vector.broadcast %jit3A_176 : i32 to vector<400x528xi32>
      %select_n3A_178 = arith.select %eq3A_175, %concatenate3A_59, %broadcast_in_dim3A_177 : vector<400x528xi1>, vector<400x528xi32>
      %reduce_min3A_179 = arith.constant dense<2147483647> : vector<400xi32>
      %reduce_min3A_180 = vector.multi_reduction <minsi>, %select_n3A_178, %reduce_min3A_179 [1] : vector<400x528xi32> to vector<400xi32>
      %broadcast_in_dim3A_181 = vector.shape_cast %reduce_min3A_180 : vector<400xi32> to vector<400x1xi32>
      %eq3A_182 = arith.constant 4 : i32
      %eq3A_183 = vector.broadcast %eq3A_182 : i32 to vector<400x16xi32>
      %eq3A_184 = arith.cmpi eq, %iota3A, %eq3A_183 : vector<400x16xi32>
      %broadcast_in_dim3A_185 = vector.shape_cast %broadcast_in_dim3A_173 : vector<400x1xf32> to vector<400x1xf32>
      %broadcast_in_dim3A_186 = vector.broadcast %broadcast_in_dim3A_185 : vector<400x1xf32> to vector<400x16xf32>
      %select_n3A_187 = arith.select %eq3A_184, %broadcast_in_dim3A_186, %select_n3A_159 : vector<400x16xi1>, vector<400x16xf32>
      %eq3A_188 = arith.constant 4 : i32
      %eq3A_189 = vector.broadcast %eq3A_188 : i32 to vector<400x16xi32>
      %eq3A_190 = arith.cmpi eq, %iota3A, %eq3A_189 : vector<400x16xi32>
      %broadcast_in_dim3A_191 = vector.shape_cast %broadcast_in_dim3A_181 : vector<400x1xi32> to vector<400x1xi32>
      %broadcast_in_dim3A_192 = vector.broadcast %broadcast_in_dim3A_191 : vector<400x1xi32> to vector<400x16xi32>
      %select_n3A_193 = arith.select %eq3A_190, %broadcast_in_dim3A_192, %select_n3A_165 : vector<400x16xi1>, vector<400x16xi32>
      %eq3A_194 = vector.broadcast %broadcast_in_dim3A_181 : vector<400x1xi32> to vector<400x528xi32>
      %eq3A_195 = arith.cmpi eq, %concatenate3A_59, %eq3A_194 : vector<400x528xi32>
      %jit3A_196 = arith.constant 0x7F800000 : f32
      %broadcast_in_dim3A_197 = vector.broadcast %jit3A_196 : f32 to vector<400x528xf32>
      %select_n3A_198 = arith.select %eq3A_195, %broadcast_in_dim3A_197, %select_n3A_170 : vector<400x528xi1>, vector<400x528xf32>
      %reduce_min3A_199 = arith.constant dense<0x7F800000> : vector<400xf32>
      %reduce_min3A_200 = vector.multi_reduction <minimumf>, %select_n3A_198, %reduce_min3A_199 [1] : vector<400x528xf32> to vector<400xf32>
      %broadcast_in_dim3A_201 = vector.shape_cast %reduce_min3A_200 : vector<400xf32> to vector<400x1xf32>
      %eq3A_202 = vector.broadcast %broadcast_in_dim3A_201 : vector<400x1xf32> to vector<400x528xf32>
      %eq3A_203 = arith.cmpf oeq, %select_n3A_198, %eq3A_202 : vector<400x528xf32>
      %jit3A_204 = arith.constant 1073741824 : i32
      %broadcast_in_dim3A_205 = vector.broadcast %jit3A_204 : i32 to vector<400x528xi32>
      %select_n3A_206 = arith.select %eq3A_203, %concatenate3A_59, %broadcast_in_dim3A_205 : vector<400x528xi1>, vector<400x528xi32>
      %reduce_min3A_207 = arith.constant dense<2147483647> : vector<400xi32>
      %reduce_min3A_208 = vector.multi_reduction <minsi>, %select_n3A_206, %reduce_min3A_207 [1] : vector<400x528xi32> to vector<400xi32>
      %broadcast_in_dim3A_209 = vector.shape_cast %reduce_min3A_208 : vector<400xi32> to vector<400x1xi32>
      %eq3A_210 = arith.constant 5 : i32
      %eq3A_211 = vector.broadcast %eq3A_210 : i32 to vector<400x16xi32>
      %eq3A_212 = arith.cmpi eq, %iota3A, %eq3A_211 : vector<400x16xi32>
      %broadcast_in_dim3A_213 = vector.shape_cast %broadcast_in_dim3A_201 : vector<400x1xf32> to vector<400x1xf32>
      %broadcast_in_dim3A_214 = vector.broadcast %broadcast_in_dim3A_213 : vector<400x1xf32> to vector<400x16xf32>
      %select_n3A_215 = arith.select %eq3A_212, %broadcast_in_dim3A_214, %select_n3A_187 : vector<400x16xi1>, vector<400x16xf32>
      %eq3A_216 = arith.constant 5 : i32
      %eq3A_217 = vector.broadcast %eq3A_216 : i32 to vector<400x16xi32>
      %eq3A_218 = arith.cmpi eq, %iota3A, %eq3A_217 : vector<400x16xi32>
      %broadcast_in_dim3A_219 = vector.shape_cast %broadcast_in_dim3A_209 : vector<400x1xi32> to vector<400x1xi32>
      %broadcast_in_dim3A_220 = vector.broadcast %broadcast_in_dim3A_219 : vector<400x1xi32> to vector<400x16xi32>
      %select_n3A_221 = arith.select %eq3A_218, %broadcast_in_dim3A_220, %select_n3A_193 : vector<400x16xi1>, vector<400x16xi32>
      %eq3A_222 = vector.broadcast %broadcast_in_dim3A_209 : vector<400x1xi32> to vector<400x528xi32>
      %eq3A_223 = arith.cmpi eq, %concatenate3A_59, %eq3A_222 : vector<400x528xi32>
      %jit3A_224 = arith.constant 0x7F800000 : f32
      %broadcast_in_dim3A_225 = vector.broadcast %jit3A_224 : f32 to vector<400x528xf32>
      %select_n3A_226 = arith.select %eq3A_223, %broadcast_in_dim3A_225, %select_n3A_198 : vector<400x528xi1>, vector<400x528xf32>
      %reduce_min3A_227 = arith.constant dense<0x7F800000> : vector<400xf32>
      %reduce_min3A_228 = vector.multi_reduction <minimumf>, %select_n3A_226, %reduce_min3A_227 [1] : vector<400x528xf32> to vector<400xf32>
      %broadcast_in_dim3A_229 = vector.shape_cast %reduce_min3A_228 : vector<400xf32> to vector<400x1xf32>
      %eq3A_230 = vector.broadcast %broadcast_in_dim3A_229 : vector<400x1xf32> to vector<400x528xf32>
      %eq3A_231 = arith.cmpf oeq, %select_n3A_226, %eq3A_230 : vector<400x528xf32>
      %jit3A_232 = arith.constant 1073741824 : i32
      %broadcast_in_dim3A_233 = vector.broadcast %jit3A_232 : i32 to vector<400x528xi32>
      %select_n3A_234 = arith.select %eq3A_231, %concatenate3A_59, %broadcast_in_dim3A_233 : vector<400x528xi1>, vector<400x528xi32>
      %reduce_min3A_235 = arith.constant dense<2147483647> : vector<400xi32>
      %reduce_min3A_236 = vector.multi_reduction <minsi>, %select_n3A_234, %reduce_min3A_235 [1] : vector<400x528xi32> to vector<400xi32>
      %broadcast_in_dim3A_237 = vector.shape_cast %reduce_min3A_236 : vector<400xi32> to vector<400x1xi32>
      %eq3A_238 = arith.constant 6 : i32
      %eq3A_239 = vector.broadcast %eq3A_238 : i32 to vector<400x16xi32>
      %eq3A_240 = arith.cmpi eq, %iota3A, %eq3A_239 : vector<400x16xi32>
      %broadcast_in_dim3A_241 = vector.shape_cast %broadcast_in_dim3A_229 : vector<400x1xf32> to vector<400x1xf32>
      %broadcast_in_dim3A_242 = vector.broadcast %broadcast_in_dim3A_241 : vector<400x1xf32> to vector<400x16xf32>
      %select_n3A_243 = arith.select %eq3A_240, %broadcast_in_dim3A_242, %select_n3A_215 : vector<400x16xi1>, vector<400x16xf32>
      %eq3A_244 = arith.constant 6 : i32
      %eq3A_245 = vector.broadcast %eq3A_244 : i32 to vector<400x16xi32>
      %eq3A_246 = arith.cmpi eq, %iota3A, %eq3A_245 : vector<400x16xi32>
      %broadcast_in_dim3A_247 = vector.shape_cast %broadcast_in_dim3A_237 : vector<400x1xi32> to vector<400x1xi32>
      %broadcast_in_dim3A_248 = vector.broadcast %broadcast_in_dim3A_247 : vector<400x1xi32> to vector<400x16xi32>
      %select_n3A_249 = arith.select %eq3A_246, %broadcast_in_dim3A_248, %select_n3A_221 : vector<400x16xi1>, vector<400x16xi32>
      %eq3A_250 = vector.broadcast %broadcast_in_dim3A_237 : vector<400x1xi32> to vector<400x528xi32>
      %eq3A_251 = arith.cmpi eq, %concatenate3A_59, %eq3A_250 : vector<400x528xi32>
      %jit3A_252 = arith.constant 0x7F800000 : f32
      %broadcast_in_dim3A_253 = vector.broadcast %jit3A_252 : f32 to vector<400x528xf32>
      %select_n3A_254 = arith.select %eq3A_251, %broadcast_in_dim3A_253, %select_n3A_226 : vector<400x528xi1>, vector<400x528xf32>
      %reduce_min3A_255 = arith.constant dense<0x7F800000> : vector<400xf32>
      %reduce_min3A_256 = vector.multi_reduction <minimumf>, %select_n3A_254, %reduce_min3A_255 [1] : vector<400x528xf32> to vector<400xf32>
      %broadcast_in_dim3A_257 = vector.shape_cast %reduce_min3A_256 : vector<400xf32> to vector<400x1xf32>
      %eq3A_258 = vector.broadcast %broadcast_in_dim3A_257 : vector<400x1xf32> to vector<400x528xf32>
      %eq3A_259 = arith.cmpf oeq, %select_n3A_254, %eq3A_258 : vector<400x528xf32>
      %jit3A_260 = arith.constant 1073741824 : i32
      %broadcast_in_dim3A_261 = vector.broadcast %jit3A_260 : i32 to vector<400x528xi32>
      %select_n3A_262 = arith.select %eq3A_259, %concatenate3A_59, %broadcast_in_dim3A_261 : vector<400x528xi1>, vector<400x528xi32>
      %reduce_min3A_263 = arith.constant dense<2147483647> : vector<400xi32>
      %reduce_min3A_264 = vector.multi_reduction <minsi>, %select_n3A_262, %reduce_min3A_263 [1] : vector<400x528xi32> to vector<400xi32>
      %broadcast_in_dim3A_265 = vector.shape_cast %reduce_min3A_264 : vector<400xi32> to vector<400x1xi32>
      %eq3A_266 = arith.constant 7 : i32
      %eq3A_267 = vector.broadcast %eq3A_266 : i32 to vector<400x16xi32>
      %eq3A_268 = arith.cmpi eq, %iota3A, %eq3A_267 : vector<400x16xi32>
      %broadcast_in_dim3A_269 = vector.shape_cast %broadcast_in_dim3A_257 : vector<400x1xf32> to vector<400x1xf32>
      %broadcast_in_dim3A_270 = vector.broadcast %broadcast_in_dim3A_269 : vector<400x1xf32> to vector<400x16xf32>
      %select_n3A_271 = arith.select %eq3A_268, %broadcast_in_dim3A_270, %select_n3A_243 : vector<400x16xi1>, vector<400x16xf32>
      %eq3A_272 = arith.constant 7 : i32
      %eq3A_273 = vector.broadcast %eq3A_272 : i32 to vector<400x16xi32>
      %eq3A_274 = arith.cmpi eq, %iota3A, %eq3A_273 : vector<400x16xi32>
      %broadcast_in_dim3A_275 = vector.shape_cast %broadcast_in_dim3A_265 : vector<400x1xi32> to vector<400x1xi32>
      %broadcast_in_dim3A_276 = vector.broadcast %broadcast_in_dim3A_275 : vector<400x1xi32> to vector<400x16xi32>
      %select_n3A_277 = arith.select %eq3A_274, %broadcast_in_dim3A_276, %select_n3A_249 : vector<400x16xi1>, vector<400x16xi32>
      %eq3A_278 = vector.broadcast %broadcast_in_dim3A_265 : vector<400x1xi32> to vector<400x528xi32>
      %eq3A_279 = arith.cmpi eq, %concatenate3A_59, %eq3A_278 : vector<400x528xi32>
      %jit3A_280 = arith.constant 0x7F800000 : f32
      %broadcast_in_dim3A_281 = vector.broadcast %jit3A_280 : f32 to vector<400x528xf32>
      %select_n3A_282 = arith.select %eq3A_279, %broadcast_in_dim3A_281, %select_n3A_254 : vector<400x528xi1>, vector<400x528xf32>
      %reduce_min3A_283 = arith.constant dense<0x7F800000> : vector<400xf32>
      %reduce_min3A_284 = vector.multi_reduction <minimumf>, %select_n3A_282, %reduce_min3A_283 [1] : vector<400x528xf32> to vector<400xf32>
      %broadcast_in_dim3A_285 = vector.shape_cast %reduce_min3A_284 : vector<400xf32> to vector<400x1xf32>
      %eq3A_286 = vector.broadcast %broadcast_in_dim3A_285 : vector<400x1xf32> to vector<400x528xf32>
      %eq3A_287 = arith.cmpf oeq, %select_n3A_282, %eq3A_286 : vector<400x528xf32>
      %jit3A_288 = arith.constant 1073741824 : i32
      %broadcast_in_dim3A_289 = vector.broadcast %jit3A_288 : i32 to vector<400x528xi32>
      %select_n3A_290 = arith.select %eq3A_287, %concatenate3A_59, %broadcast_in_dim3A_289 : vector<400x528xi1>, vector<400x528xi32>
      %reduce_min3A_291 = arith.constant dense<2147483647> : vector<400xi32>
      %reduce_min3A_292 = vector.multi_reduction <minsi>, %select_n3A_290, %reduce_min3A_291 [1] : vector<400x528xi32> to vector<400xi32>
      %broadcast_in_dim3A_293 = vector.shape_cast %reduce_min3A_292 : vector<400xi32> to vector<400x1xi32>
      %eq3A_294 = arith.constant 8 : i32
      %eq3A_295 = vector.broadcast %eq3A_294 : i32 to vector<400x16xi32>
      %eq3A_296 = arith.cmpi eq, %iota3A, %eq3A_295 : vector<400x16xi32>
      %broadcast_in_dim3A_297 = vector.shape_cast %broadcast_in_dim3A_285 : vector<400x1xf32> to vector<400x1xf32>
      %broadcast_in_dim3A_298 = vector.broadcast %broadcast_in_dim3A_297 : vector<400x1xf32> to vector<400x16xf32>
      %select_n3A_299 = arith.select %eq3A_296, %broadcast_in_dim3A_298, %select_n3A_271 : vector<400x16xi1>, vector<400x16xf32>
      %eq3A_300 = arith.constant 8 : i32
      %eq3A_301 = vector.broadcast %eq3A_300 : i32 to vector<400x16xi32>
      %eq3A_302 = arith.cmpi eq, %iota3A, %eq3A_301 : vector<400x16xi32>
      %broadcast_in_dim3A_303 = vector.shape_cast %broadcast_in_dim3A_293 : vector<400x1xi32> to vector<400x1xi32>
      %broadcast_in_dim3A_304 = vector.broadcast %broadcast_in_dim3A_303 : vector<400x1xi32> to vector<400x16xi32>
      %select_n3A_305 = arith.select %eq3A_302, %broadcast_in_dim3A_304, %select_n3A_277 : vector<400x16xi1>, vector<400x16xi32>
      %eq3A_306 = vector.broadcast %broadcast_in_dim3A_293 : vector<400x1xi32> to vector<400x528xi32>
      %eq3A_307 = arith.cmpi eq, %concatenate3A_59, %eq3A_306 : vector<400x528xi32>
      %jit3A_308 = arith.constant 0x7F800000 : f32
      %broadcast_in_dim3A_309 = vector.broadcast %jit3A_308 : f32 to vector<400x528xf32>
      %select_n3A_310 = arith.select %eq3A_307, %broadcast_in_dim3A_309, %select_n3A_282 : vector<400x528xi1>, vector<400x528xf32>
      %reduce_min3A_311 = arith.constant dense<0x7F800000> : vector<400xf32>
      %reduce_min3A_312 = vector.multi_reduction <minimumf>, %select_n3A_310, %reduce_min3A_311 [1] : vector<400x528xf32> to vector<400xf32>
      %broadcast_in_dim3A_313 = vector.shape_cast %reduce_min3A_312 : vector<400xf32> to vector<400x1xf32>
      %eq3A_314 = vector.broadcast %broadcast_in_dim3A_313 : vector<400x1xf32> to vector<400x528xf32>
      %eq3A_315 = arith.cmpf oeq, %select_n3A_310, %eq3A_314 : vector<400x528xf32>
      %jit3A_316 = arith.constant 1073741824 : i32
      %broadcast_in_dim3A_317 = vector.broadcast %jit3A_316 : i32 to vector<400x528xi32>
      %select_n3A_318 = arith.select %eq3A_315, %concatenate3A_59, %broadcast_in_dim3A_317 : vector<400x528xi1>, vector<400x528xi32>
      %reduce_min3A_319 = arith.constant dense<2147483647> : vector<400xi32>
      %reduce_min3A_320 = vector.multi_reduction <minsi>, %select_n3A_318, %reduce_min3A_319 [1] : vector<400x528xi32> to vector<400xi32>
      %broadcast_in_dim3A_321 = vector.shape_cast %reduce_min3A_320 : vector<400xi32> to vector<400x1xi32>
      %eq3A_322 = arith.constant 9 : i32
      %eq3A_323 = vector.broadcast %eq3A_322 : i32 to vector<400x16xi32>
      %eq3A_324 = arith.cmpi eq, %iota3A, %eq3A_323 : vector<400x16xi32>
      %broadcast_in_dim3A_325 = vector.shape_cast %broadcast_in_dim3A_313 : vector<400x1xf32> to vector<400x1xf32>
      %broadcast_in_dim3A_326 = vector.broadcast %broadcast_in_dim3A_325 : vector<400x1xf32> to vector<400x16xf32>
      %select_n3A_327 = arith.select %eq3A_324, %broadcast_in_dim3A_326, %select_n3A_299 : vector<400x16xi1>, vector<400x16xf32>
      %eq3A_328 = arith.constant 9 : i32
      %eq3A_329 = vector.broadcast %eq3A_328 : i32 to vector<400x16xi32>
      %eq3A_330 = arith.cmpi eq, %iota3A, %eq3A_329 : vector<400x16xi32>
      %broadcast_in_dim3A_331 = vector.shape_cast %broadcast_in_dim3A_321 : vector<400x1xi32> to vector<400x1xi32>
      %broadcast_in_dim3A_332 = vector.broadcast %broadcast_in_dim3A_331 : vector<400x1xi32> to vector<400x16xi32>
      %select_n3A_333 = arith.select %eq3A_330, %broadcast_in_dim3A_332, %select_n3A_305 : vector<400x16xi1>, vector<400x16xi32>
      %eq3A_334 = vector.broadcast %broadcast_in_dim3A_321 : vector<400x1xi32> to vector<400x528xi32>
      %eq3A_335 = arith.cmpi eq, %concatenate3A_59, %eq3A_334 : vector<400x528xi32>
      %jit3A_336 = arith.constant 0x7F800000 : f32
      %broadcast_in_dim3A_337 = vector.broadcast %jit3A_336 : f32 to vector<400x528xf32>
      %select_n3A_338 = arith.select %eq3A_335, %broadcast_in_dim3A_337, %select_n3A_310 : vector<400x528xi1>, vector<400x528xf32>
      %reduce_min3A_339 = arith.constant dense<0x7F800000> : vector<400xf32>
      %reduce_min3A_340 = vector.multi_reduction <minimumf>, %select_n3A_338, %reduce_min3A_339 [1] : vector<400x528xf32> to vector<400xf32>
      %broadcast_in_dim3A_341 = vector.shape_cast %reduce_min3A_340 : vector<400xf32> to vector<400x1xf32>
      %eq3A_342 = vector.broadcast %broadcast_in_dim3A_341 : vector<400x1xf32> to vector<400x528xf32>
      %eq3A_343 = arith.cmpf oeq, %select_n3A_338, %eq3A_342 : vector<400x528xf32>
      %jit3A_344 = arith.constant 1073741824 : i32
      %broadcast_in_dim3A_345 = vector.broadcast %jit3A_344 : i32 to vector<400x528xi32>
      %select_n3A_346 = arith.select %eq3A_343, %concatenate3A_59, %broadcast_in_dim3A_345 : vector<400x528xi1>, vector<400x528xi32>
      %reduce_min3A_347 = arith.constant dense<2147483647> : vector<400xi32>
      %reduce_min3A_348 = vector.multi_reduction <minsi>, %select_n3A_346, %reduce_min3A_347 [1] : vector<400x528xi32> to vector<400xi32>
      %broadcast_in_dim3A_349 = vector.shape_cast %reduce_min3A_348 : vector<400xi32> to vector<400x1xi32>
      %eq3A_350 = arith.constant 10 : i32
      %eq3A_351 = vector.broadcast %eq3A_350 : i32 to vector<400x16xi32>
      %eq3A_352 = arith.cmpi eq, %iota3A, %eq3A_351 : vector<400x16xi32>
      %broadcast_in_dim3A_353 = vector.shape_cast %broadcast_in_dim3A_341 : vector<400x1xf32> to vector<400x1xf32>
      %broadcast_in_dim3A_354 = vector.broadcast %broadcast_in_dim3A_353 : vector<400x1xf32> to vector<400x16xf32>
      %select_n3A_355 = arith.select %eq3A_352, %broadcast_in_dim3A_354, %select_n3A_327 : vector<400x16xi1>, vector<400x16xf32>
      %eq3A_356 = arith.constant 10 : i32
      %eq3A_357 = vector.broadcast %eq3A_356 : i32 to vector<400x16xi32>
      %eq3A_358 = arith.cmpi eq, %iota3A, %eq3A_357 : vector<400x16xi32>
      %broadcast_in_dim3A_359 = vector.shape_cast %broadcast_in_dim3A_349 : vector<400x1xi32> to vector<400x1xi32>
      %broadcast_in_dim3A_360 = vector.broadcast %broadcast_in_dim3A_359 : vector<400x1xi32> to vector<400x16xi32>
      %select_n3A_361 = arith.select %eq3A_358, %broadcast_in_dim3A_360, %select_n3A_333 : vector<400x16xi1>, vector<400x16xi32>
      %eq3A_362 = vector.broadcast %broadcast_in_dim3A_349 : vector<400x1xi32> to vector<400x528xi32>
      %eq3A_363 = arith.cmpi eq, %concatenate3A_59, %eq3A_362 : vector<400x528xi32>
      %jit3A_364 = arith.constant 0x7F800000 : f32
      %broadcast_in_dim3A_365 = vector.broadcast %jit3A_364 : f32 to vector<400x528xf32>
      %select_n3A_366 = arith.select %eq3A_363, %broadcast_in_dim3A_365, %select_n3A_338 : vector<400x528xi1>, vector<400x528xf32>
      %reduce_min3A_367 = arith.constant dense<0x7F800000> : vector<400xf32>
      %reduce_min3A_368 = vector.multi_reduction <minimumf>, %select_n3A_366, %reduce_min3A_367 [1] : vector<400x528xf32> to vector<400xf32>
      %broadcast_in_dim3A_369 = vector.shape_cast %reduce_min3A_368 : vector<400xf32> to vector<400x1xf32>
      %eq3A_370 = vector.broadcast %broadcast_in_dim3A_369 : vector<400x1xf32> to vector<400x528xf32>
      %eq3A_371 = arith.cmpf oeq, %select_n3A_366, %eq3A_370 : vector<400x528xf32>
      %jit3A_372 = arith.constant 1073741824 : i32
      %broadcast_in_dim3A_373 = vector.broadcast %jit3A_372 : i32 to vector<400x528xi32>
      %select_n3A_374 = arith.select %eq3A_371, %concatenate3A_59, %broadcast_in_dim3A_373 : vector<400x528xi1>, vector<400x528xi32>
      %reduce_min3A_375 = arith.constant dense<2147483647> : vector<400xi32>
      %reduce_min3A_376 = vector.multi_reduction <minsi>, %select_n3A_374, %reduce_min3A_375 [1] : vector<400x528xi32> to vector<400xi32>
      %broadcast_in_dim3A_377 = vector.shape_cast %reduce_min3A_376 : vector<400xi32> to vector<400x1xi32>
      %eq3A_378 = arith.constant 11 : i32
      %eq3A_379 = vector.broadcast %eq3A_378 : i32 to vector<400x16xi32>
      %eq3A_380 = arith.cmpi eq, %iota3A, %eq3A_379 : vector<400x16xi32>
      %broadcast_in_dim3A_381 = vector.shape_cast %broadcast_in_dim3A_369 : vector<400x1xf32> to vector<400x1xf32>
      %broadcast_in_dim3A_382 = vector.broadcast %broadcast_in_dim3A_381 : vector<400x1xf32> to vector<400x16xf32>
      %select_n3A_383 = arith.select %eq3A_380, %broadcast_in_dim3A_382, %select_n3A_355 : vector<400x16xi1>, vector<400x16xf32>
      %eq3A_384 = arith.constant 11 : i32
      %eq3A_385 = vector.broadcast %eq3A_384 : i32 to vector<400x16xi32>
      %eq3A_386 = arith.cmpi eq, %iota3A, %eq3A_385 : vector<400x16xi32>
      %broadcast_in_dim3A_387 = vector.shape_cast %broadcast_in_dim3A_377 : vector<400x1xi32> to vector<400x1xi32>
      %broadcast_in_dim3A_388 = vector.broadcast %broadcast_in_dim3A_387 : vector<400x1xi32> to vector<400x16xi32>
      %select_n3A_389 = arith.select %eq3A_386, %broadcast_in_dim3A_388, %select_n3A_361 : vector<400x16xi1>, vector<400x16xi32>
      %eq3A_390 = vector.broadcast %broadcast_in_dim3A_377 : vector<400x1xi32> to vector<400x528xi32>
      %eq3A_391 = arith.cmpi eq, %concatenate3A_59, %eq3A_390 : vector<400x528xi32>
      %jit3A_392 = arith.constant 0x7F800000 : f32
      %broadcast_in_dim3A_393 = vector.broadcast %jit3A_392 : f32 to vector<400x528xf32>
      %select_n3A_394 = arith.select %eq3A_391, %broadcast_in_dim3A_393, %select_n3A_366 : vector<400x528xi1>, vector<400x528xf32>
      %reduce_min3A_395 = arith.constant dense<0x7F800000> : vector<400xf32>
      %reduce_min3A_396 = vector.multi_reduction <minimumf>, %select_n3A_394, %reduce_min3A_395 [1] : vector<400x528xf32> to vector<400xf32>
      %broadcast_in_dim3A_397 = vector.shape_cast %reduce_min3A_396 : vector<400xf32> to vector<400x1xf32>
      %eq3A_398 = vector.broadcast %broadcast_in_dim3A_397 : vector<400x1xf32> to vector<400x528xf32>
      %eq3A_399 = arith.cmpf oeq, %select_n3A_394, %eq3A_398 : vector<400x528xf32>
      %jit3A_400 = arith.constant 1073741824 : i32
      %broadcast_in_dim3A_401 = vector.broadcast %jit3A_400 : i32 to vector<400x528xi32>
      %select_n3A_402 = arith.select %eq3A_399, %concatenate3A_59, %broadcast_in_dim3A_401 : vector<400x528xi1>, vector<400x528xi32>
      %reduce_min3A_403 = arith.constant dense<2147483647> : vector<400xi32>
      %reduce_min3A_404 = vector.multi_reduction <minsi>, %select_n3A_402, %reduce_min3A_403 [1] : vector<400x528xi32> to vector<400xi32>
      %broadcast_in_dim3A_405 = vector.shape_cast %reduce_min3A_404 : vector<400xi32> to vector<400x1xi32>
      %eq3A_406 = arith.constant 12 : i32
      %eq3A_407 = vector.broadcast %eq3A_406 : i32 to vector<400x16xi32>
      %eq3A_408 = arith.cmpi eq, %iota3A, %eq3A_407 : vector<400x16xi32>
      %broadcast_in_dim3A_409 = vector.shape_cast %broadcast_in_dim3A_397 : vector<400x1xf32> to vector<400x1xf32>
      %broadcast_in_dim3A_410 = vector.broadcast %broadcast_in_dim3A_409 : vector<400x1xf32> to vector<400x16xf32>
      %select_n3A_411 = arith.select %eq3A_408, %broadcast_in_dim3A_410, %select_n3A_383 : vector<400x16xi1>, vector<400x16xf32>
      %eq3A_412 = arith.constant 12 : i32
      %eq3A_413 = vector.broadcast %eq3A_412 : i32 to vector<400x16xi32>
      %eq3A_414 = arith.cmpi eq, %iota3A, %eq3A_413 : vector<400x16xi32>
      %broadcast_in_dim3A_415 = vector.shape_cast %broadcast_in_dim3A_405 : vector<400x1xi32> to vector<400x1xi32>
      %broadcast_in_dim3A_416 = vector.broadcast %broadcast_in_dim3A_415 : vector<400x1xi32> to vector<400x16xi32>
      %select_n3A_417 = arith.select %eq3A_414, %broadcast_in_dim3A_416, %select_n3A_389 : vector<400x16xi1>, vector<400x16xi32>
      %eq3A_418 = vector.broadcast %broadcast_in_dim3A_405 : vector<400x1xi32> to vector<400x528xi32>
      %eq3A_419 = arith.cmpi eq, %concatenate3A_59, %eq3A_418 : vector<400x528xi32>
      %jit3A_420 = arith.constant 0x7F800000 : f32
      %broadcast_in_dim3A_421 = vector.broadcast %jit3A_420 : f32 to vector<400x528xf32>
      %select_n3A_422 = arith.select %eq3A_419, %broadcast_in_dim3A_421, %select_n3A_394 : vector<400x528xi1>, vector<400x528xf32>
      %reduce_min3A_423 = arith.constant dense<0x7F800000> : vector<400xf32>
      %reduce_min3A_424 = vector.multi_reduction <minimumf>, %select_n3A_422, %reduce_min3A_423 [1] : vector<400x528xf32> to vector<400xf32>
      %broadcast_in_dim3A_425 = vector.shape_cast %reduce_min3A_424 : vector<400xf32> to vector<400x1xf32>
      %eq3A_426 = vector.broadcast %broadcast_in_dim3A_425 : vector<400x1xf32> to vector<400x528xf32>
      %eq3A_427 = arith.cmpf oeq, %select_n3A_422, %eq3A_426 : vector<400x528xf32>
      %jit3A_428 = arith.constant 1073741824 : i32
      %broadcast_in_dim3A_429 = vector.broadcast %jit3A_428 : i32 to vector<400x528xi32>
      %select_n3A_430 = arith.select %eq3A_427, %concatenate3A_59, %broadcast_in_dim3A_429 : vector<400x528xi1>, vector<400x528xi32>
      %reduce_min3A_431 = arith.constant dense<2147483647> : vector<400xi32>
      %reduce_min3A_432 = vector.multi_reduction <minsi>, %select_n3A_430, %reduce_min3A_431 [1] : vector<400x528xi32> to vector<400xi32>
      %broadcast_in_dim3A_433 = vector.shape_cast %reduce_min3A_432 : vector<400xi32> to vector<400x1xi32>
      %eq3A_434 = arith.constant 13 : i32
      %eq3A_435 = vector.broadcast %eq3A_434 : i32 to vector<400x16xi32>
      %eq3A_436 = arith.cmpi eq, %iota3A, %eq3A_435 : vector<400x16xi32>
      %broadcast_in_dim3A_437 = vector.shape_cast %broadcast_in_dim3A_425 : vector<400x1xf32> to vector<400x1xf32>
      %broadcast_in_dim3A_438 = vector.broadcast %broadcast_in_dim3A_437 : vector<400x1xf32> to vector<400x16xf32>
      %select_n3A_439 = arith.select %eq3A_436, %broadcast_in_dim3A_438, %select_n3A_411 : vector<400x16xi1>, vector<400x16xf32>
      %eq3A_440 = arith.constant 13 : i32
      %eq3A_441 = vector.broadcast %eq3A_440 : i32 to vector<400x16xi32>
      %eq3A_442 = arith.cmpi eq, %iota3A, %eq3A_441 : vector<400x16xi32>
      %broadcast_in_dim3A_443 = vector.shape_cast %broadcast_in_dim3A_433 : vector<400x1xi32> to vector<400x1xi32>
      %broadcast_in_dim3A_444 = vector.broadcast %broadcast_in_dim3A_443 : vector<400x1xi32> to vector<400x16xi32>
      %select_n3A_445 = arith.select %eq3A_442, %broadcast_in_dim3A_444, %select_n3A_417 : vector<400x16xi1>, vector<400x16xi32>
      %eq3A_446 = vector.broadcast %broadcast_in_dim3A_433 : vector<400x1xi32> to vector<400x528xi32>
      %eq3A_447 = arith.cmpi eq, %concatenate3A_59, %eq3A_446 : vector<400x528xi32>
      %jit3A_448 = arith.constant 0x7F800000 : f32
      %broadcast_in_dim3A_449 = vector.broadcast %jit3A_448 : f32 to vector<400x528xf32>
      %select_n3A_450 = arith.select %eq3A_447, %broadcast_in_dim3A_449, %select_n3A_422 : vector<400x528xi1>, vector<400x528xf32>
      %reduce_min3A_451 = arith.constant dense<0x7F800000> : vector<400xf32>
      %reduce_min3A_452 = vector.multi_reduction <minimumf>, %select_n3A_450, %reduce_min3A_451 [1] : vector<400x528xf32> to vector<400xf32>
      %broadcast_in_dim3A_453 = vector.shape_cast %reduce_min3A_452 : vector<400xf32> to vector<400x1xf32>
      %eq3A_454 = vector.broadcast %broadcast_in_dim3A_453 : vector<400x1xf32> to vector<400x528xf32>
      %eq3A_455 = arith.cmpf oeq, %select_n3A_450, %eq3A_454 : vector<400x528xf32>
      %jit3A_456 = arith.constant 1073741824 : i32
      %broadcast_in_dim3A_457 = vector.broadcast %jit3A_456 : i32 to vector<400x528xi32>
      %select_n3A_458 = arith.select %eq3A_455, %concatenate3A_59, %broadcast_in_dim3A_457 : vector<400x528xi1>, vector<400x528xi32>
      %reduce_min3A_459 = arith.constant dense<2147483647> : vector<400xi32>
      %reduce_min3A_460 = vector.multi_reduction <minsi>, %select_n3A_458, %reduce_min3A_459 [1] : vector<400x528xi32> to vector<400xi32>
      %broadcast_in_dim3A_461 = vector.shape_cast %reduce_min3A_460 : vector<400xi32> to vector<400x1xi32>
      %eq3A_462 = arith.constant 14 : i32
      %eq3A_463 = vector.broadcast %eq3A_462 : i32 to vector<400x16xi32>
      %eq3A_464 = arith.cmpi eq, %iota3A, %eq3A_463 : vector<400x16xi32>
      %broadcast_in_dim3A_465 = vector.shape_cast %broadcast_in_dim3A_453 : vector<400x1xf32> to vector<400x1xf32>
      %broadcast_in_dim3A_466 = vector.broadcast %broadcast_in_dim3A_465 : vector<400x1xf32> to vector<400x16xf32>
      %select_n3A_467 = arith.select %eq3A_464, %broadcast_in_dim3A_466, %select_n3A_439 : vector<400x16xi1>, vector<400x16xf32>
      %eq3A_468 = arith.constant 14 : i32
      %eq3A_469 = vector.broadcast %eq3A_468 : i32 to vector<400x16xi32>
      %eq3A_470 = arith.cmpi eq, %iota3A, %eq3A_469 : vector<400x16xi32>
      %broadcast_in_dim3A_471 = vector.shape_cast %broadcast_in_dim3A_461 : vector<400x1xi32> to vector<400x1xi32>
      %broadcast_in_dim3A_472 = vector.broadcast %broadcast_in_dim3A_471 : vector<400x1xi32> to vector<400x16xi32>
      %select_n3A_473 = arith.select %eq3A_470, %broadcast_in_dim3A_472, %select_n3A_445 : vector<400x16xi1>, vector<400x16xi32>
      %eq3A_474 = vector.broadcast %broadcast_in_dim3A_461 : vector<400x1xi32> to vector<400x528xi32>
      %eq3A_475 = arith.cmpi eq, %concatenate3A_59, %eq3A_474 : vector<400x528xi32>
      %jit3A_476 = arith.constant 0x7F800000 : f32
      %broadcast_in_dim3A_477 = vector.broadcast %jit3A_476 : f32 to vector<400x528xf32>
      %select_n3A_478 = arith.select %eq3A_475, %broadcast_in_dim3A_477, %select_n3A_450 : vector<400x528xi1>, vector<400x528xf32>
      %reduce_min3A_479 = arith.constant dense<0x7F800000> : vector<400xf32>
      %reduce_min3A_480 = vector.multi_reduction <minimumf>, %select_n3A_478, %reduce_min3A_479 [1] : vector<400x528xf32> to vector<400xf32>
      %broadcast_in_dim3A_481 = vector.shape_cast %reduce_min3A_480 : vector<400xf32> to vector<400x1xf32>
      %eq3A_482 = vector.broadcast %broadcast_in_dim3A_481 : vector<400x1xf32> to vector<400x528xf32>
      %eq3A_483 = arith.cmpf oeq, %select_n3A_478, %eq3A_482 : vector<400x528xf32>
      %jit3A_484 = arith.constant 1073741824 : i32
      %broadcast_in_dim3A_485 = vector.broadcast %jit3A_484 : i32 to vector<400x528xi32>
      %select_n3A_486 = arith.select %eq3A_483, %concatenate3A_59, %broadcast_in_dim3A_485 : vector<400x528xi1>, vector<400x528xi32>
      %reduce_min3A_487 = arith.constant dense<2147483647> : vector<400xi32>
      %reduce_min3A_488 = vector.multi_reduction <minsi>, %select_n3A_486, %reduce_min3A_487 [1] : vector<400x528xi32> to vector<400xi32>
      %broadcast_in_dim3A_489 = vector.shape_cast %reduce_min3A_488 : vector<400xi32> to vector<400x1xi32>
      %eq3A_490 = arith.constant 15 : i32
      %eq3A_491 = vector.broadcast %eq3A_490 : i32 to vector<400x16xi32>
      %eq3A_492 = arith.cmpi eq, %iota3A, %eq3A_491 : vector<400x16xi32>
      %broadcast_in_dim3A_493 = vector.shape_cast %broadcast_in_dim3A_481 : vector<400x1xf32> to vector<400x1xf32>
      %broadcast_in_dim3A_494 = vector.broadcast %broadcast_in_dim3A_493 : vector<400x1xf32> to vector<400x16xf32>
      %select_n3A_495 = arith.select %eq3A_492, %broadcast_in_dim3A_494, %select_n3A_467 : vector<400x16xi1>, vector<400x16xf32>
      %eq3A_496 = arith.constant 15 : i32
      %eq3A_497 = vector.broadcast %eq3A_496 : i32 to vector<400x16xi32>
      %eq3A_498 = arith.cmpi eq, %iota3A, %eq3A_497 : vector<400x16xi32>
      %broadcast_in_dim3A_499 = vector.shape_cast %broadcast_in_dim3A_489 : vector<400x1xi32> to vector<400x1xi32>
      %broadcast_in_dim3A_500 = vector.broadcast %broadcast_in_dim3A_499 : vector<400x1xi32> to vector<400x16xi32>
      %select_n3A_501 = arith.select %eq3A_498, %broadcast_in_dim3A_500, %select_n3A_473 : vector<400x16xi1>, vector<400x16xi32>
      %eq3A_502 = vector.broadcast %broadcast_in_dim3A_489 : vector<400x1xi32> to vector<400x528xi32>
      %eq3A_503 = arith.cmpi eq, %concatenate3A_59, %eq3A_502 : vector<400x528xi32>
      %jit3A_504 = arith.constant 0x7F800000 : f32
      %broadcast_in_dim3A_505 = vector.broadcast %jit3A_504 : f32 to vector<400x528xf32>
      %select_n3A_506 = arith.select %eq3A_503, %broadcast_in_dim3A_505, %select_n3A_478 : vector<400x528xi1>, vector<400x528xf32>
      scf.yield %select_n3A_495, %select_n3A_501 : vector<400x16xf32>, vector<400x16xi32>
    }
    %while3A_25 = arith.constant 1 : i32
    %while3A_26:2 = scf.for %while3A_32 = %while3A_22 to %while3A_18 step %while3A_25 iter_args(%while3A_33 = %while3A_24#0, %while3A_34 = %while3A_24#1) -> (vector<400x16xf32>, vector<400x16xi32>)  : i32 {
      %mul3A = arith.constant 512 : i32
      %mul3A_35 = arith.muli %while3A_32, %mul3A : i32
      %add3A = arith.addi %get3A_1, %mul3A_35 : i32
      %multiple_of3A = tpu.assume_multiple %add3A, 128 : i32
      %get3A_36 = arith.index_cast %multiple_of3A : i32 to index
      %get3A_37 = arith.constant 0 : index
      %get3A_38 = vector.load %arg3[%get3A_36, %get3A_37] : memref<10752x64xf32, #tpu.memory_space<vmem>>, vector<512x64xf32>
      %get3A_39 = arith.constant 0 : index
      %get3A_40 = arith.index_cast %multiple_of3A : i32 to index
      %get3A_41 = vector.load %arg4[%get3A_39, %get3A_40] : memref<1x10752xf32, #tpu.memory_space<vmem>>, vector<1x512xf32>
      %get3A_42 = arith.constant 0 : index
      %get3A_43 = arith.index_cast %multiple_of3A : i32 to index
      %get3A_44 = vector.load %arg7[%get3A_42, %get3A_43] : memref<1x10752xi32, #tpu.memory_space<vmem>>, vector<1x512xi32>
      %dot_general3A = arith.constant dense<0.000000e+00> : vector<400x512xf32>
      %dot_general3A_45 = tpu.matmul %get3A_7, %get3A_38, %dot_general3A {dimension_numbers = #tpu.dot_dimension_numbers<[1], [1], [0], [0], [0, 0, 1, 0], [], []>, transpose_lhs_hint = false} : vector<400x64xf32>, vector<512x64xf32>, vector<400x512xf32> -> vector<400x512xf32>
      %mul3A_46 = arith.constant 2.000000e+00 : f32
      %mul3A_47 = vector.broadcast %mul3A_46 : f32 to vector<400x512xf32>
      %mul3A_48 = arith.mulf %mul3A_47, %dot_general3A_45 : vector<400x512xf32>
      %sub3A = vector.broadcast %get3A_10 : vector<400x1xf32> to vector<400x512xf32>
      %sub3A_49 = arith.subf %sub3A, %mul3A_48 : vector<400x512xf32>
      %add3A_50 = vector.broadcast %get3A_41 : vector<1x512xf32> to vector<400x512xf32>
      %add3A_51 = arith.addf %sub3A_49, %add3A_50 : vector<400x512xf32>
      %eq3A = vector.broadcast %get3A_13 : vector<400x1xi32> to vector<400x512xi32>
      %eq3A_52 = vector.broadcast %get3A_44 : vector<1x512xi32> to vector<400x512xi32>
      %eq3A_53 = arith.cmpi eq, %eq3A, %eq3A_52 : vector<400x512xi32>
      %jit3A_54 = arith.constant 0x7F800000 : f32
      %broadcast_in_dim3A_55 = vector.broadcast %jit3A_54 : f32 to vector<400x512xf32>
      %select_n3A = arith.select %eq3A_53, %add3A_51, %broadcast_in_dim3A_55 : vector<400x512xi1>, vector<400x512xf32>
      %iota3A_56 = tpu.iota {dimensions = array<i32: 1>} : vector<400x512xi32>
      %add3A_57 = vector.broadcast %multiple_of3A : i32 to vector<400x512xi32>
      %add3A_58 = arith.addi %add3A_57, %iota3A_56 : vector<400x512xi32>
      %concatenate3A = tpu.concatenate %while3A_33, %select_n3A in 1 : vector<400x16xf32>, vector<400x512xf32> -> vector<400x528xf32>
      %concatenate3A_59 = tpu.concatenate %while3A_34, %add3A_58 in 1 : vector<400x16xi32>, vector<400x512xi32> -> vector<400x528xi32>
      %reduce_min3A = arith.constant dense<0x7F800000> : vector<400xf32>
      %reduce_min3A_60 = vector.multi_reduction <minimumf>, %concatenate3A, %reduce_min3A [1] : vector<400x528xf32> to vector<400xf32>
      %broadcast_in_dim3A_61 = vector.shape_cast %reduce_min3A_60 : vector<400xf32> to vector<400x1xf32>
      %eq3A_62 = vector.broadcast %broadcast_in_dim3A_61 : vector<400x1xf32> to vector<400x528xf32>
      %eq3A_63 = arith.cmpf oeq, %concatenate3A, %eq3A_62 : vector<400x528xf32>
      %jit3A_64 = arith.constant 1073741824 : i32
      %broadcast_in_dim3A_65 = vector.broadcast %jit3A_64 : i32 to vector<400x528xi32>
      %select_n3A_66 = arith.select %eq3A_63, %concatenate3A_59, %broadcast_in_dim3A_65 : vector<400x528xi1>, vector<400x528xi32>
      %reduce_min3A_67 = arith.constant dense<2147483647> : vector<400xi32>
      %reduce_min3A_68 = vector.multi_reduction <minsi>, %select_n3A_66, %reduce_min3A_67 [1] : vector<400x528xi32> to vector<400xi32>
      %broadcast_in_dim3A_69 = vector.shape_cast %reduce_min3A_68 : vector<400xi32> to vector<400x1xi32>
      %eq3A_70 = arith.constant 0 : i32
      %eq3A_71 = vector.broadcast %eq3A_70 : i32 to vector<400x16xi32>
      %eq3A_72 = arith.cmpi eq, %iota3A, %eq3A_71 : vector<400x16xi32>
      %broadcast_in_dim3A_73 = vector.shape_cast %broadcast_in_dim3A_61 : vector<400x1xf32> to vector<400x1xf32>
      %broadcast_in_dim3A_74 = vector.broadcast %broadcast_in_dim3A_73 : vector<400x1xf32> to vector<400x16xf32>
      %select_n3A_75 = arith.select %eq3A_72, %broadcast_in_dim3A_74, %while3A_33 : vector<400x16xi1>, vector<400x16xf32>
      %eq3A_76 = arith.constant 0 : i32
      %eq3A_77 = vector.broadcast %eq3A_76 : i32 to vector<400x16xi32>
      %eq3A_78 = arith.cmpi eq, %iota3A, %eq3A_77 : vector<400x16xi32>
      %broadcast_in_dim3A_79 = vector.shape_cast %broadcast_in_dim3A_69 : vector<400x1xi32> to vector<400x1xi32>
      %broadcast_in_dim3A_80 = vector.broadcast %broadcast_in_dim3A_79 : vector<400x1xi32> to vector<400x16xi32>
      %select_n3A_81 = arith.select %eq3A_78, %broadcast_in_dim3A_80, %while3A_34 : vector<400x16xi1>, vector<400x16xi32>
      %eq3A_82 = vector.broadcast %broadcast_in_dim3A_69 : vector<400x1xi32> to vector<400x528xi32>
      %eq3A_83 = arith.cmpi eq, %concatenate3A_59, %eq3A_82 : vector<400x528xi32>
      %jit3A_84 = arith.constant 0x7F800000 : f32
      %broadcast_in_dim3A_85 = vector.broadcast %jit3A_84 : f32 to vector<400x528xf32>
      %select_n3A_86 = arith.select %eq3A_83, %broadcast_in_dim3A_85, %concatenate3A : vector<400x528xi1>, vector<400x528xf32>
      %reduce_min3A_87 = arith.constant dense<0x7F800000> : vector<400xf32>
      %reduce_min3A_88 = vector.multi_reduction <minimumf>, %select_n3A_86, %reduce_min3A_87 [1] : vector<400x528xf32> to vector<400xf32>
      %broadcast_in_dim3A_89 = vector.shape_cast %reduce_min3A_88 : vector<400xf32> to vector<400x1xf32>
      %eq3A_90 = vector.broadcast %broadcast_in_dim3A_89 : vector<400x1xf32> to vector<400x528xf32>
      %eq3A_91 = arith.cmpf oeq, %select_n3A_86, %eq3A_90 : vector<400x528xf32>
      %jit3A_92 = arith.constant 1073741824 : i32
      %broadcast_in_dim3A_93 = vector.broadcast %jit3A_92 : i32 to vector<400x528xi32>
      %select_n3A_94 = arith.select %eq3A_91, %concatenate3A_59, %broadcast_in_dim3A_93 : vector<400x528xi1>, vector<400x528xi32>
      %reduce_min3A_95 = arith.constant dense<2147483647> : vector<400xi32>
      %reduce_min3A_96 = vector.multi_reduction <minsi>, %select_n3A_94, %reduce_min3A_95 [1] : vector<400x528xi32> to vector<400xi32>
      %broadcast_in_dim3A_97 = vector.shape_cast %reduce_min3A_96 : vector<400xi32> to vector<400x1xi32>
      %eq3A_98 = arith.constant 1 : i32
      %eq3A_99 = vector.broadcast %eq3A_98 : i32 to vector<400x16xi32>
      %eq3A_100 = arith.cmpi eq, %iota3A, %eq3A_99 : vector<400x16xi32>
      %broadcast_in_dim3A_101 = vector.shape_cast %broadcast_in_dim3A_89 : vector<400x1xf32> to vector<400x1xf32>
      %broadcast_in_dim3A_102 = vector.broadcast %broadcast_in_dim3A_101 : vector<400x1xf32> to vector<400x16xf32>
      %select_n3A_103 = arith.select %eq3A_100, %broadcast_in_dim3A_102, %select_n3A_75 : vector<400x16xi1>, vector<400x16xf32>
      %eq3A_104 = arith.constant 1 : i32
      %eq3A_105 = vector.broadcast %eq3A_104 : i32 to vector<400x16xi32>
      %eq3A_106 = arith.cmpi eq, %iota3A, %eq3A_105 : vector<400x16xi32>
      %broadcast_in_dim3A_107 = vector.shape_cast %broadcast_in_dim3A_97 : vector<400x1xi32> to vector<400x1xi32>
      %broadcast_in_dim3A_108 = vector.broadcast %broadcast_in_dim3A_107 : vector<400x1xi32> to vector<400x16xi32>
      %select_n3A_109 = arith.select %eq3A_106, %broadcast_in_dim3A_108, %select_n3A_81 : vector<400x16xi1>, vector<400x16xi32>
      %eq3A_110 = vector.broadcast %broadcast_in_dim3A_97 : vector<400x1xi32> to vector<400x528xi32>
      %eq3A_111 = arith.cmpi eq, %concatenate3A_59, %eq3A_110 : vector<400x528xi32>
      %jit3A_112 = arith.constant 0x7F800000 : f32
      %broadcast_in_dim3A_113 = vector.broadcast %jit3A_112 : f32 to vector<400x528xf32>
      %select_n3A_114 = arith.select %eq3A_111, %broadcast_in_dim3A_113, %select_n3A_86 : vector<400x528xi1>, vector<400x528xf32>
      %reduce_min3A_115 = arith.constant dense<0x7F800000> : vector<400xf32>
      %reduce_min3A_116 = vector.multi_reduction <minimumf>, %select_n3A_114, %reduce_min3A_115 [1] : vector<400x528xf32> to vector<400xf32>
      %broadcast_in_dim3A_117 = vector.shape_cast %reduce_min3A_116 : vector<400xf32> to vector<400x1xf32>
      %eq3A_118 = vector.broadcast %broadcast_in_dim3A_117 : vector<400x1xf32> to vector<400x528xf32>
      %eq3A_119 = arith.cmpf oeq, %select_n3A_114, %eq3A_118 : vector<400x528xf32>
      %jit3A_120 = arith.constant 1073741824 : i32
      %broadcast_in_dim3A_121 = vector.broadcast %jit3A_120 : i32 to vector<400x528xi32>
      %select_n3A_122 = arith.select %eq3A_119, %concatenate3A_59, %broadcast_in_dim3A_121 : vector<400x528xi1>, vector<400x528xi32>
      %reduce_min3A_123 = arith.constant dense<2147483647> : vector<400xi32>
      %reduce_min3A_124 = vector.multi_reduction <minsi>, %select_n3A_122, %reduce_min3A_123 [1] : vector<400x528xi32> to vector<400xi32>
      %broadcast_in_dim3A_125 = vector.shape_cast %reduce_min3A_124 : vector<400xi32> to vector<400x1xi32>
      %eq3A_126 = arith.constant 2 : i32
      %eq3A_127 = vector.broadcast %eq3A_126 : i32 to vector<400x16xi32>
      %eq3A_128 = arith.cmpi eq, %iota3A, %eq3A_127 : vector<400x16xi32>
      %broadcast_in_dim3A_129 = vector.shape_cast %broadcast_in_dim3A_117 : vector<400x1xf32> to vector<400x1xf32>
      %broadcast_in_dim3A_130 = vector.broadcast %broadcast_in_dim3A_129 : vector<400x1xf32> to vector<400x16xf32>
      %select_n3A_131 = arith.select %eq3A_128, %broadcast_in_dim3A_130, %select_n3A_103 : vector<400x16xi1>, vector<400x16xf32>
      %eq3A_132 = arith.constant 2 : i32
      %eq3A_133 = vector.broadcast %eq3A_132 : i32 to vector<400x16xi32>
      %eq3A_134 = arith.cmpi eq, %iota3A, %eq3A_133 : vector<400x16xi32>
      %broadcast_in_dim3A_135 = vector.shape_cast %broadcast_in_dim3A_125 : vector<400x1xi32> to vector<400x1xi32>
      %broadcast_in_dim3A_136 = vector.broadcast %broadcast_in_dim3A_135 : vector<400x1xi32> to vector<400x16xi32>
      %select_n3A_137 = arith.select %eq3A_134, %broadcast_in_dim3A_136, %select_n3A_109 : vector<400x16xi1>, vector<400x16xi32>
      %eq3A_138 = vector.broadcast %broadcast_in_dim3A_125 : vector<400x1xi32> to vector<400x528xi32>
      %eq3A_139 = arith.cmpi eq, %concatenate3A_59, %eq3A_138 : vector<400x528xi32>
      %jit3A_140 = arith.constant 0x7F800000 : f32
      %broadcast_in_dim3A_141 = vector.broadcast %jit3A_140 : f32 to vector<400x528xf32>
      %select_n3A_142 = arith.select %eq3A_139, %broadcast_in_dim3A_141, %select_n3A_114 : vector<400x528xi1>, vector<400x528xf32>
      %reduce_min3A_143 = arith.constant dense<0x7F800000> : vector<400xf32>
      %reduce_min3A_144 = vector.multi_reduction <minimumf>, %select_n3A_142, %reduce_min3A_143 [1] : vector<400x528xf32> to vector<400xf32>
      %broadcast_in_dim3A_145 = vector.shape_cast %reduce_min3A_144 : vector<400xf32> to vector<400x1xf32>
      %eq3A_146 = vector.broadcast %broadcast_in_dim3A_145 : vector<400x1xf32> to vector<400x528xf32>
      %eq3A_147 = arith.cmpf oeq, %select_n3A_142, %eq3A_146 : vector<400x528xf32>
      %jit3A_148 = arith.constant 1073741824 : i32
      %broadcast_in_dim3A_149 = vector.broadcast %jit3A_148 : i32 to vector<400x528xi32>
      %select_n3A_150 = arith.select %eq3A_147, %concatenate3A_59, %broadcast_in_dim3A_149 : vector<400x528xi1>, vector<400x528xi32>
      %reduce_min3A_151 = arith.constant dense<2147483647> : vector<400xi32>
      %reduce_min3A_152 = vector.multi_reduction <minsi>, %select_n3A_150, %reduce_min3A_151 [1] : vector<400x528xi32> to vector<400xi32>
      %broadcast_in_dim3A_153 = vector.shape_cast %reduce_min3A_152 : vector<400xi32> to vector<400x1xi32>
      %eq3A_154 = arith.constant 3 : i32
      %eq3A_155 = vector.broadcast %eq3A_154 : i32 to vector<400x16xi32>
      %eq3A_156 = arith.cmpi eq, %iota3A, %eq3A_155 : vector<400x16xi32>
      %broadcast_in_dim3A_157 = vector.shape_cast %broadcast_in_dim3A_145 : vector<400x1xf32> to vector<400x1xf32>
      %broadcast_in_dim3A_158 = vector.broadcast %broadcast_in_dim3A_157 : vector<400x1xf32> to vector<400x16xf32>
      %select_n3A_159 = arith.select %eq3A_156, %broadcast_in_dim3A_158, %select_n3A_131 : vector<400x16xi1>, vector<400x16xf32>
      %eq3A_160 = arith.constant 3 : i32
      %eq3A_161 = vector.broadcast %eq3A_160 : i32 to vector<400x16xi32>
      %eq3A_162 = arith.cmpi eq, %iota3A, %eq3A_161 : vector<400x16xi32>
      %broadcast_in_dim3A_163 = vector.shape_cast %broadcast_in_dim3A_153 : vector<400x1xi32> to vector<400x1xi32>
      %broadcast_in_dim3A_164 = vector.broadcast %broadcast_in_dim3A_163 : vector<400x1xi32> to vector<400x16xi32>
      %select_n3A_165 = arith.select %eq3A_162, %broadcast_in_dim3A_164, %select_n3A_137 : vector<400x16xi1>, vector<400x16xi32>
      %eq3A_166 = vector.broadcast %broadcast_in_dim3A_153 : vector<400x1xi32> to vector<400x528xi32>
      %eq3A_167 = arith.cmpi eq, %concatenate3A_59, %eq3A_166 : vector<400x528xi32>
      %jit3A_168 = arith.constant 0x7F800000 : f32
      %broadcast_in_dim3A_169 = vector.broadcast %jit3A_168 : f32 to vector<400x528xf32>
      %select_n3A_170 = arith.select %eq3A_167, %broadcast_in_dim3A_169, %select_n3A_142 : vector<400x528xi1>, vector<400x528xf32>
      %reduce_min3A_171 = arith.constant dense<0x7F800000> : vector<400xf32>
      %reduce_min3A_172 = vector.multi_reduction <minimumf>, %select_n3A_170, %reduce_min3A_171 [1] : vector<400x528xf32> to vector<400xf32>
      %broadcast_in_dim3A_173 = vector.shape_cast %reduce_min3A_172 : vector<400xf32> to vector<400x1xf32>
      %eq3A_174 = vector.broadcast %broadcast_in_dim3A_173 : vector<400x1xf32> to vector<400x528xf32>
      %eq3A_175 = arith.cmpf oeq, %select_n3A_170, %eq3A_174 : vector<400x528xf32>
      %jit3A_176 = arith.constant 1073741824 : i32
      %broadcast_in_dim3A_177 = vector.broadcast %jit3A_176 : i32 to vector<400x528xi32>
      %select_n3A_178 = arith.select %eq3A_175, %concatenate3A_59, %broadcast_in_dim3A_177 : vector<400x528xi1>, vector<400x528xi32>
      %reduce_min3A_179 = arith.constant dense<2147483647> : vector<400xi32>
      %reduce_min3A_180 = vector.multi_reduction <minsi>, %select_n3A_178, %reduce_min3A_179 [1] : vector<400x528xi32> to vector<400xi32>
      %broadcast_in_dim3A_181 = vector.shape_cast %reduce_min3A_180 : vector<400xi32> to vector<400x1xi32>
      %eq3A_182 = arith.constant 4 : i32
      %eq3A_183 = vector.broadcast %eq3A_182 : i32 to vector<400x16xi32>
      %eq3A_184 = arith.cmpi eq, %iota3A, %eq3A_183 : vector<400x16xi32>
      %broadcast_in_dim3A_185 = vector.shape_cast %broadcast_in_dim3A_173 : vector<400x1xf32> to vector<400x1xf32>
      %broadcast_in_dim3A_186 = vector.broadcast %broadcast_in_dim3A_185 : vector<400x1xf32> to vector<400x16xf32>
      %select_n3A_187 = arith.select %eq3A_184, %broadcast_in_dim3A_186, %select_n3A_159 : vector<400x16xi1>, vector<400x16xf32>
      %eq3A_188 = arith.constant 4 : i32
      %eq3A_189 = vector.broadcast %eq3A_188 : i32 to vector<400x16xi32>
      %eq3A_190 = arith.cmpi eq, %iota3A, %eq3A_189 : vector<400x16xi32>
      %broadcast_in_dim3A_191 = vector.shape_cast %broadcast_in_dim3A_181 : vector<400x1xi32> to vector<400x1xi32>
      %broadcast_in_dim3A_192 = vector.broadcast %broadcast_in_dim3A_191 : vector<400x1xi32> to vector<400x16xi32>
      %select_n3A_193 = arith.select %eq3A_190, %broadcast_in_dim3A_192, %select_n3A_165 : vector<400x16xi1>, vector<400x16xi32>
      %eq3A_194 = vector.broadcast %broadcast_in_dim3A_181 : vector<400x1xi32> to vector<400x528xi32>
      %eq3A_195 = arith.cmpi eq, %concatenate3A_59, %eq3A_194 : vector<400x528xi32>
      %jit3A_196 = arith.constant 0x7F800000 : f32
      %broadcast_in_dim3A_197 = vector.broadcast %jit3A_196 : f32 to vector<400x528xf32>
      %select_n3A_198 = arith.select %eq3A_195, %broadcast_in_dim3A_197, %select_n3A_170 : vector<400x528xi1>, vector<400x528xf32>
      %reduce_min3A_199 = arith.constant dense<0x7F800000> : vector<400xf32>
      %reduce_min3A_200 = vector.multi_reduction <minimumf>, %select_n3A_198, %reduce_min3A_199 [1] : vector<400x528xf32> to vector<400xf32>
      %broadcast_in_dim3A_201 = vector.shape_cast %reduce_min3A_200 : vector<400xf32> to vector<400x1xf32>
      %eq3A_202 = vector.broadcast %broadcast_in_dim3A_201 : vector<400x1xf32> to vector<400x528xf32>
      %eq3A_203 = arith.cmpf oeq, %select_n3A_198, %eq3A_202 : vector<400x528xf32>
      %jit3A_204 = arith.constant 1073741824 : i32
      %broadcast_in_dim3A_205 = vector.broadcast %jit3A_204 : i32 to vector<400x528xi32>
      %select_n3A_206 = arith.select %eq3A_203, %concatenate3A_59, %broadcast_in_dim3A_205 : vector<400x528xi1>, vector<400x528xi32>
      %reduce_min3A_207 = arith.constant dense<2147483647> : vector<400xi32>
      %reduce_min3A_208 = vector.multi_reduction <minsi>, %select_n3A_206, %reduce_min3A_207 [1] : vector<400x528xi32> to vector<400xi32>
      %broadcast_in_dim3A_209 = vector.shape_cast %reduce_min3A_208 : vector<400xi32> to vector<400x1xi32>
      %eq3A_210 = arith.constant 5 : i32
      %eq3A_211 = vector.broadcast %eq3A_210 : i32 to vector<400x16xi32>
      %eq3A_212 = arith.cmpi eq, %iota3A, %eq3A_211 : vector<400x16xi32>
      %broadcast_in_dim3A_213 = vector.shape_cast %broadcast_in_dim3A_201 : vector<400x1xf32> to vector<400x1xf32>
      %broadcast_in_dim3A_214 = vector.broadcast %broadcast_in_dim3A_213 : vector<400x1xf32> to vector<400x16xf32>
      %select_n3A_215 = arith.select %eq3A_212, %broadcast_in_dim3A_214, %select_n3A_187 : vector<400x16xi1>, vector<400x16xf32>
      %eq3A_216 = arith.constant 5 : i32
      %eq3A_217 = vector.broadcast %eq3A_216 : i32 to vector<400x16xi32>
      %eq3A_218 = arith.cmpi eq, %iota3A, %eq3A_217 : vector<400x16xi32>
      %broadcast_in_dim3A_219 = vector.shape_cast %broadcast_in_dim3A_209 : vector<400x1xi32> to vector<400x1xi32>
      %broadcast_in_dim3A_220 = vector.broadcast %broadcast_in_dim3A_219 : vector<400x1xi32> to vector<400x16xi32>
      %select_n3A_221 = arith.select %eq3A_218, %broadcast_in_dim3A_220, %select_n3A_193 : vector<400x16xi1>, vector<400x16xi32>
      %eq3A_222 = vector.broadcast %broadcast_in_dim3A_209 : vector<400x1xi32> to vector<400x528xi32>
      %eq3A_223 = arith.cmpi eq, %concatenate3A_59, %eq3A_222 : vector<400x528xi32>
      %jit3A_224 = arith.constant 0x7F800000 : f32
      %broadcast_in_dim3A_225 = vector.broadcast %jit3A_224 : f32 to vector<400x528xf32>
      %select_n3A_226 = arith.select %eq3A_223, %broadcast_in_dim3A_225, %select_n3A_198 : vector<400x528xi1>, vector<400x528xf32>
      %reduce_min3A_227 = arith.constant dense<0x7F800000> : vector<400xf32>
      %reduce_min3A_228 = vector.multi_reduction <minimumf>, %select_n3A_226, %reduce_min3A_227 [1] : vector<400x528xf32> to vector<400xf32>
      %broadcast_in_dim3A_229 = vector.shape_cast %reduce_min3A_228 : vector<400xf32> to vector<400x1xf32>
      %eq3A_230 = vector.broadcast %broadcast_in_dim3A_229 : vector<400x1xf32> to vector<400x528xf32>
      %eq3A_231 = arith.cmpf oeq, %select_n3A_226, %eq3A_230 : vector<400x528xf32>
      %jit3A_232 = arith.constant 1073741824 : i32
      %broadcast_in_dim3A_233 = vector.broadcast %jit3A_232 : i32 to vector<400x528xi32>
      %select_n3A_234 = arith.select %eq3A_231, %concatenate3A_59, %broadcast_in_dim3A_233 : vector<400x528xi1>, vector<400x528xi32>
      %reduce_min3A_235 = arith.constant dense<2147483647> : vector<400xi32>
      %reduce_min3A_236 = vector.multi_reduction <minsi>, %select_n3A_234, %reduce_min3A_235 [1] : vector<400x528xi32> to vector<400xi32>
      %broadcast_in_dim3A_237 = vector.shape_cast %reduce_min3A_236 : vector<400xi32> to vector<400x1xi32>
      %eq3A_238 = arith.constant 6 : i32
      %eq3A_239 = vector.broadcast %eq3A_238 : i32 to vector<400x16xi32>
      %eq3A_240 = arith.cmpi eq, %iota3A, %eq3A_239 : vector<400x16xi32>
      %broadcast_in_dim3A_241 = vector.shape_cast %broadcast_in_dim3A_229 : vector<400x1xf32> to vector<400x1xf32>
      %broadcast_in_dim3A_242 = vector.broadcast %broadcast_in_dim3A_241 : vector<400x1xf32> to vector<400x16xf32>
      %select_n3A_243 = arith.select %eq3A_240, %broadcast_in_dim3A_242, %select_n3A_215 : vector<400x16xi1>, vector<400x16xf32>
      %eq3A_244 = arith.constant 6 : i32
      %eq3A_245 = vector.broadcast %eq3A_244 : i32 to vector<400x16xi32>
      %eq3A_246 = arith.cmpi eq, %iota3A, %eq3A_245 : vector<400x16xi32>
      %broadcast_in_dim3A_247 = vector.shape_cast %broadcast_in_dim3A_237 : vector<400x1xi32> to vector<400x1xi32>
      %broadcast_in_dim3A_248 = vector.broadcast %broadcast_in_dim3A_247 : vector<400x1xi32> to vector<400x16xi32>
      %select_n3A_249 = arith.select %eq3A_246, %broadcast_in_dim3A_248, %select_n3A_221 : vector<400x16xi1>, vector<400x16xi32>
      %eq3A_250 = vector.broadcast %broadcast_in_dim3A_237 : vector<400x1xi32> to vector<400x528xi32>
      %eq3A_251 = arith.cmpi eq, %concatenate3A_59, %eq3A_250 : vector<400x528xi32>
      %jit3A_252 = arith.constant 0x7F800000 : f32
      %broadcast_in_dim3A_253 = vector.broadcast %jit3A_252 : f32 to vector<400x528xf32>
      %select_n3A_254 = arith.select %eq3A_251, %broadcast_in_dim3A_253, %select_n3A_226 : vector<400x528xi1>, vector<400x528xf32>
      %reduce_min3A_255 = arith.constant dense<0x7F800000> : vector<400xf32>
      %reduce_min3A_256 = vector.multi_reduction <minimumf>, %select_n3A_254, %reduce_min3A_255 [1] : vector<400x528xf32> to vector<400xf32>
      %broadcast_in_dim3A_257 = vector.shape_cast %reduce_min3A_256 : vector<400xf32> to vector<400x1xf32>
      %eq3A_258 = vector.broadcast %broadcast_in_dim3A_257 : vector<400x1xf32> to vector<400x528xf32>
      %eq3A_259 = arith.cmpf oeq, %select_n3A_254, %eq3A_258 : vector<400x528xf32>
      %jit3A_260 = arith.constant 1073741824 : i32
      %broadcast_in_dim3A_261 = vector.broadcast %jit3A_260 : i32 to vector<400x528xi32>
      %select_n3A_262 = arith.select %eq3A_259, %concatenate3A_59, %broadcast_in_dim3A_261 : vector<400x528xi1>, vector<400x528xi32>
      %reduce_min3A_263 = arith.constant dense<2147483647> : vector<400xi32>
      %reduce_min3A_264 = vector.multi_reduction <minsi>, %select_n3A_262, %reduce_min3A_263 [1] : vector<400x528xi32> to vector<400xi32>
      %broadcast_in_dim3A_265 = vector.shape_cast %reduce_min3A_264 : vector<400xi32> to vector<400x1xi32>
      %eq3A_266 = arith.constant 7 : i32
      %eq3A_267 = vector.broadcast %eq3A_266 : i32 to vector<400x16xi32>
      %eq3A_268 = arith.cmpi eq, %iota3A, %eq3A_267 : vector<400x16xi32>
      %broadcast_in_dim3A_269 = vector.shape_cast %broadcast_in_dim3A_257 : vector<400x1xf32> to vector<400x1xf32>
      %broadcast_in_dim3A_270 = vector.broadcast %broadcast_in_dim3A_269 : vector<400x1xf32> to vector<400x16xf32>
      %select_n3A_271 = arith.select %eq3A_268, %broadcast_in_dim3A_270, %select_n3A_243 : vector<400x16xi1>, vector<400x16xf32>
      %eq3A_272 = arith.constant 7 : i32
      %eq3A_273 = vector.broadcast %eq3A_272 : i32 to vector<400x16xi32>
      %eq3A_274 = arith.cmpi eq, %iota3A, %eq3A_273 : vector<400x16xi32>
      %broadcast_in_dim3A_275 = vector.shape_cast %broadcast_in_dim3A_265 : vector<400x1xi32> to vector<400x1xi32>
      %broadcast_in_dim3A_276 = vector.broadcast %broadcast_in_dim3A_275 : vector<400x1xi32> to vector<400x16xi32>
      %select_n3A_277 = arith.select %eq3A_274, %broadcast_in_dim3A_276, %select_n3A_249 : vector<400x16xi1>, vector<400x16xi32>
      %eq3A_278 = vector.broadcast %broadcast_in_dim3A_265 : vector<400x1xi32> to vector<400x528xi32>
      %eq3A_279 = arith.cmpi eq, %concatenate3A_59, %eq3A_278 : vector<400x528xi32>
      %jit3A_280 = arith.constant 0x7F800000 : f32
      %broadcast_in_dim3A_281 = vector.broadcast %jit3A_280 : f32 to vector<400x528xf32>
      %select_n3A_282 = arith.select %eq3A_279, %broadcast_in_dim3A_281, %select_n3A_254 : vector<400x528xi1>, vector<400x528xf32>
      %reduce_min3A_283 = arith.constant dense<0x7F800000> : vector<400xf32>
      %reduce_min3A_284 = vector.multi_reduction <minimumf>, %select_n3A_282, %reduce_min3A_283 [1] : vector<400x528xf32> to vector<400xf32>
      %broadcast_in_dim3A_285 = vector.shape_cast %reduce_min3A_284 : vector<400xf32> to vector<400x1xf32>
      %eq3A_286 = vector.broadcast %broadcast_in_dim3A_285 : vector<400x1xf32> to vector<400x528xf32>
      %eq3A_287 = arith.cmpf oeq, %select_n3A_282, %eq3A_286 : vector<400x528xf32>
      %jit3A_288 = arith.constant 1073741824 : i32
      %broadcast_in_dim3A_289 = vector.broadcast %jit3A_288 : i32 to vector<400x528xi32>
      %select_n3A_290 = arith.select %eq3A_287, %concatenate3A_59, %broadcast_in_dim3A_289 : vector<400x528xi1>, vector<400x528xi32>
      %reduce_min3A_291 = arith.constant dense<2147483647> : vector<400xi32>
      %reduce_min3A_292 = vector.multi_reduction <minsi>, %select_n3A_290, %reduce_min3A_291 [1] : vector<400x528xi32> to vector<400xi32>
      %broadcast_in_dim3A_293 = vector.shape_cast %reduce_min3A_292 : vector<400xi32> to vector<400x1xi32>
      %eq3A_294 = arith.constant 8 : i32
      %eq3A_295 = vector.broadcast %eq3A_294 : i32 to vector<400x16xi32>
      %eq3A_296 = arith.cmpi eq, %iota3A, %eq3A_295 : vector<400x16xi32>
      %broadcast_in_dim3A_297 = vector.shape_cast %broadcast_in_dim3A_285 : vector<400x1xf32> to vector<400x1xf32>
      %broadcast_in_dim3A_298 = vector.broadcast %broadcast_in_dim3A_297 : vector<400x1xf32> to vector<400x16xf32>
      %select_n3A_299 = arith.select %eq3A_296, %broadcast_in_dim3A_298, %select_n3A_271 : vector<400x16xi1>, vector<400x16xf32>
      %eq3A_300 = arith.constant 8 : i32
      %eq3A_301 = vector.broadcast %eq3A_300 : i32 to vector<400x16xi32>
      %eq3A_302 = arith.cmpi eq, %iota3A, %eq3A_301 : vector<400x16xi32>
      %broadcast_in_dim3A_303 = vector.shape_cast %broadcast_in_dim3A_293 : vector<400x1xi32> to vector<400x1xi32>
      %broadcast_in_dim3A_304 = vector.broadcast %broadcast_in_dim3A_303 : vector<400x1xi32> to vector<400x16xi32>
      %select_n3A_305 = arith.select %eq3A_302, %broadcast_in_dim3A_304, %select_n3A_277 : vector<400x16xi1>, vector<400x16xi32>
      %eq3A_306 = vector.broadcast %broadcast_in_dim3A_293 : vector<400x1xi32> to vector<400x528xi32>
      %eq3A_307 = arith.cmpi eq, %concatenate3A_59, %eq3A_306 : vector<400x528xi32>
      %jit3A_308 = arith.constant 0x7F800000 : f32
      %broadcast_in_dim3A_309 = vector.broadcast %jit3A_308 : f32 to vector<400x528xf32>
      %select_n3A_310 = arith.select %eq3A_307, %broadcast_in_dim3A_309, %select_n3A_282 : vector<400x528xi1>, vector<400x528xf32>
      %reduce_min3A_311 = arith.constant dense<0x7F800000> : vector<400xf32>
      %reduce_min3A_312 = vector.multi_reduction <minimumf>, %select_n3A_310, %reduce_min3A_311 [1] : vector<400x528xf32> to vector<400xf32>
      %broadcast_in_dim3A_313 = vector.shape_cast %reduce_min3A_312 : vector<400xf32> to vector<400x1xf32>
      %eq3A_314 = vector.broadcast %broadcast_in_dim3A_313 : vector<400x1xf32> to vector<400x528xf32>
      %eq3A_315 = arith.cmpf oeq, %select_n3A_310, %eq3A_314 : vector<400x528xf32>
      %jit3A_316 = arith.constant 1073741824 : i32
      %broadcast_in_dim3A_317 = vector.broadcast %jit3A_316 : i32 to vector<400x528xi32>
      %select_n3A_318 = arith.select %eq3A_315, %concatenate3A_59, %broadcast_in_dim3A_317 : vector<400x528xi1>, vector<400x528xi32>
      %reduce_min3A_319 = arith.constant dense<2147483647> : vector<400xi32>
      %reduce_min3A_320 = vector.multi_reduction <minsi>, %select_n3A_318, %reduce_min3A_319 [1] : vector<400x528xi32> to vector<400xi32>
      %broadcast_in_dim3A_321 = vector.shape_cast %reduce_min3A_320 : vector<400xi32> to vector<400x1xi32>
      %eq3A_322 = arith.constant 9 : i32
      %eq3A_323 = vector.broadcast %eq3A_322 : i32 to vector<400x16xi32>
      %eq3A_324 = arith.cmpi eq, %iota3A, %eq3A_323 : vector<400x16xi32>
      %broadcast_in_dim3A_325 = vector.shape_cast %broadcast_in_dim3A_313 : vector<400x1xf32> to vector<400x1xf32>
      %broadcast_in_dim3A_326 = vector.broadcast %broadcast_in_dim3A_325 : vector<400x1xf32> to vector<400x16xf32>
      %select_n3A_327 = arith.select %eq3A_324, %broadcast_in_dim3A_326, %select_n3A_299 : vector<400x16xi1>, vector<400x16xf32>
      %eq3A_328 = arith.constant 9 : i32
      %eq3A_329 = vector.broadcast %eq3A_328 : i32 to vector<400x16xi32>
      %eq3A_330 = arith.cmpi eq, %iota3A, %eq3A_329 : vector<400x16xi32>
      %broadcast_in_dim3A_331 = vector.shape_cast %broadcast_in_dim3A_321 : vector<400x1xi32> to vector<400x1xi32>
      %broadcast_in_dim3A_332 = vector.broadcast %broadcast_in_dim3A_331 : vector<400x1xi32> to vector<400x16xi32>
      %select_n3A_333 = arith.select %eq3A_330, %broadcast_in_dim3A_332, %select_n3A_305 : vector<400x16xi1>, vector<400x16xi32>
      %eq3A_334 = vector.broadcast %broadcast_in_dim3A_321 : vector<400x1xi32> to vector<400x528xi32>
      %eq3A_335 = arith.cmpi eq, %concatenate3A_59, %eq3A_334 : vector<400x528xi32>
      %jit3A_336 = arith.constant 0x7F800000 : f32
      %broadcast_in_dim3A_337 = vector.broadcast %jit3A_336 : f32 to vector<400x528xf32>
      %select_n3A_338 = arith.select %eq3A_335, %broadcast_in_dim3A_337, %select_n3A_310 : vector<400x528xi1>, vector<400x528xf32>
      %reduce_min3A_339 = arith.constant dense<0x7F800000> : vector<400xf32>
      %reduce_min3A_340 = vector.multi_reduction <minimumf>, %select_n3A_338, %reduce_min3A_339 [1] : vector<400x528xf32> to vector<400xf32>
      %broadcast_in_dim3A_341 = vector.shape_cast %reduce_min3A_340 : vector<400xf32> to vector<400x1xf32>
      %eq3A_342 = vector.broadcast %broadcast_in_dim3A_341 : vector<400x1xf32> to vector<400x528xf32>
      %eq3A_343 = arith.cmpf oeq, %select_n3A_338, %eq3A_342 : vector<400x528xf32>
      %jit3A_344 = arith.constant 1073741824 : i32
      %broadcast_in_dim3A_345 = vector.broadcast %jit3A_344 : i32 to vector<400x528xi32>
      %select_n3A_346 = arith.select %eq3A_343, %concatenate3A_59, %broadcast_in_dim3A_345 : vector<400x528xi1>, vector<400x528xi32>
      %reduce_min3A_347 = arith.constant dense<2147483647> : vector<400xi32>
      %reduce_min3A_348 = vector.multi_reduction <minsi>, %select_n3A_346, %reduce_min3A_347 [1] : vector<400x528xi32> to vector<400xi32>
      %broadcast_in_dim3A_349 = vector.shape_cast %reduce_min3A_348 : vector<400xi32> to vector<400x1xi32>
      %eq3A_350 = arith.constant 10 : i32
      %eq3A_351 = vector.broadcast %eq3A_350 : i32 to vector<400x16xi32>
      %eq3A_352 = arith.cmpi eq, %iota3A, %eq3A_351 : vector<400x16xi32>
      %broadcast_in_dim3A_353 = vector.shape_cast %broadcast_in_dim3A_341 : vector<400x1xf32> to vector<400x1xf32>
      %broadcast_in_dim3A_354 = vector.broadcast %broadcast_in_dim3A_353 : vector<400x1xf32> to vector<400x16xf32>
      %select_n3A_355 = arith.select %eq3A_352, %broadcast_in_dim3A_354, %select_n3A_327 : vector<400x16xi1>, vector<400x16xf32>
      %eq3A_356 = arith.constant 10 : i32
      %eq3A_357 = vector.broadcast %eq3A_356 : i32 to vector<400x16xi32>
      %eq3A_358 = arith.cmpi eq, %iota3A, %eq3A_357 : vector<400x16xi32>
      %broadcast_in_dim3A_359 = vector.shape_cast %broadcast_in_dim3A_349 : vector<400x1xi32> to vector<400x1xi32>
      %broadcast_in_dim3A_360 = vector.broadcast %broadcast_in_dim3A_359 : vector<400x1xi32> to vector<400x16xi32>
      %select_n3A_361 = arith.select %eq3A_358, %broadcast_in_dim3A_360, %select_n3A_333 : vector<400x16xi1>, vector<400x16xi32>
      %eq3A_362 = vector.broadcast %broadcast_in_dim3A_349 : vector<400x1xi32> to vector<400x528xi32>
      %eq3A_363 = arith.cmpi eq, %concatenate3A_59, %eq3A_362 : vector<400x528xi32>
      %jit3A_364 = arith.constant 0x7F800000 : f32
      %broadcast_in_dim3A_365 = vector.broadcast %jit3A_364 : f32 to vector<400x528xf32>
      %select_n3A_366 = arith.select %eq3A_363, %broadcast_in_dim3A_365, %select_n3A_338 : vector<400x528xi1>, vector<400x528xf32>
      %reduce_min3A_367 = arith.constant dense<0x7F800000> : vector<400xf32>
      %reduce_min3A_368 = vector.multi_reduction <minimumf>, %select_n3A_366, %reduce_min3A_367 [1] : vector<400x528xf32> to vector<400xf32>
      %broadcast_in_dim3A_369 = vector.shape_cast %reduce_min3A_368 : vector<400xf32> to vector<400x1xf32>
      %eq3A_370 = vector.broadcast %broadcast_in_dim3A_369 : vector<400x1xf32> to vector<400x528xf32>
      %eq3A_371 = arith.cmpf oeq, %select_n3A_366, %eq3A_370 : vector<400x528xf32>
      %jit3A_372 = arith.constant 1073741824 : i32
      %broadcast_in_dim3A_373 = vector.broadcast %jit3A_372 : i32 to vector<400x528xi32>
      %select_n3A_374 = arith.select %eq3A_371, %concatenate3A_59, %broadcast_in_dim3A_373 : vector<400x528xi1>, vector<400x528xi32>
      %reduce_min3A_375 = arith.constant dense<2147483647> : vector<400xi32>
      %reduce_min3A_376 = vector.multi_reduction <minsi>, %select_n3A_374, %reduce_min3A_375 [1] : vector<400x528xi32> to vector<400xi32>
      %broadcast_in_dim3A_377 = vector.shape_cast %reduce_min3A_376 : vector<400xi32> to vector<400x1xi32>
      %eq3A_378 = arith.constant 11 : i32
      %eq3A_379 = vector.broadcast %eq3A_378 : i32 to vector<400x16xi32>
      %eq3A_380 = arith.cmpi eq, %iota3A, %eq3A_379 : vector<400x16xi32>
      %broadcast_in_dim3A_381 = vector.shape_cast %broadcast_in_dim3A_369 : vector<400x1xf32> to vector<400x1xf32>
      %broadcast_in_dim3A_382 = vector.broadcast %broadcast_in_dim3A_381 : vector<400x1xf32> to vector<400x16xf32>
      %select_n3A_383 = arith.select %eq3A_380, %broadcast_in_dim3A_382, %select_n3A_355 : vector<400x16xi1>, vector<400x16xf32>
      %eq3A_384 = arith.constant 11 : i32
      %eq3A_385 = vector.broadcast %eq3A_384 : i32 to vector<400x16xi32>
      %eq3A_386 = arith.cmpi eq, %iota3A, %eq3A_385 : vector<400x16xi32>
      %broadcast_in_dim3A_387 = vector.shape_cast %broadcast_in_dim3A_377 : vector<400x1xi32> to vector<400x1xi32>
      %broadcast_in_dim3A_388 = vector.broadcast %broadcast_in_dim3A_387 : vector<400x1xi32> to vector<400x16xi32>
      %select_n3A_389 = arith.select %eq3A_386, %broadcast_in_dim3A_388, %select_n3A_361 : vector<400x16xi1>, vector<400x16xi32>
      %eq3A_390 = vector.broadcast %broadcast_in_dim3A_377 : vector<400x1xi32> to vector<400x528xi32>
      %eq3A_391 = arith.cmpi eq, %concatenate3A_59, %eq3A_390 : vector<400x528xi32>
      %jit3A_392 = arith.constant 0x7F800000 : f32
      %broadcast_in_dim3A_393 = vector.broadcast %jit3A_392 : f32 to vector<400x528xf32>
      %select_n3A_394 = arith.select %eq3A_391, %broadcast_in_dim3A_393, %select_n3A_366 : vector<400x528xi1>, vector<400x528xf32>
      %reduce_min3A_395 = arith.constant dense<0x7F800000> : vector<400xf32>
      %reduce_min3A_396 = vector.multi_reduction <minimumf>, %select_n3A_394, %reduce_min3A_395 [1] : vector<400x528xf32> to vector<400xf32>
      %broadcast_in_dim3A_397 = vector.shape_cast %reduce_min3A_396 : vector<400xf32> to vector<400x1xf32>
      %eq3A_398 = vector.broadcast %broadcast_in_dim3A_397 : vector<400x1xf32> to vector<400x528xf32>
      %eq3A_399 = arith.cmpf oeq, %select_n3A_394, %eq3A_398 : vector<400x528xf32>
      %jit3A_400 = arith.constant 1073741824 : i32
      %broadcast_in_dim3A_401 = vector.broadcast %jit3A_400 : i32 to vector<400x528xi32>
      %select_n3A_402 = arith.select %eq3A_399, %concatenate3A_59, %broadcast_in_dim3A_401 : vector<400x528xi1>, vector<400x528xi32>
      %reduce_min3A_403 = arith.constant dense<2147483647> : vector<400xi32>
      %reduce_min3A_404 = vector.multi_reduction <minsi>, %select_n3A_402, %reduce_min3A_403 [1] : vector<400x528xi32> to vector<400xi32>
      %broadcast_in_dim3A_405 = vector.shape_cast %reduce_min3A_404 : vector<400xi32> to vector<400x1xi32>
      %eq3A_406 = arith.constant 12 : i32
      %eq3A_407 = vector.broadcast %eq3A_406 : i32 to vector<400x16xi32>
      %eq3A_408 = arith.cmpi eq, %iota3A, %eq3A_407 : vector<400x16xi32>
      %broadcast_in_dim3A_409 = vector.shape_cast %broadcast_in_dim3A_397 : vector<400x1xf32> to vector<400x1xf32>
      %broadcast_in_dim3A_410 = vector.broadcast %broadcast_in_dim3A_409 : vector<400x1xf32> to vector<400x16xf32>
      %select_n3A_411 = arith.select %eq3A_408, %broadcast_in_dim3A_410, %select_n3A_383 : vector<400x16xi1>, vector<400x16xf32>
      %eq3A_412 = arith.constant 12 : i32
      %eq3A_413 = vector.broadcast %eq3A_412 : i32 to vector<400x16xi32>
      %eq3A_414 = arith.cmpi eq, %iota3A, %eq3A_413 : vector<400x16xi32>
      %broadcast_in_dim3A_415 = vector.shape_cast %broadcast_in_dim3A_405 : vector<400x1xi32> to vector<400x1xi32>
      %broadcast_in_dim3A_416 = vector.broadcast %broadcast_in_dim3A_415 : vector<400x1xi32> to vector<400x16xi32>
      %select_n3A_417 = arith.select %eq3A_414, %broadcast_in_dim3A_416, %select_n3A_389 : vector<400x16xi1>, vector<400x16xi32>
      %eq3A_418 = vector.broadcast %broadcast_in_dim3A_405 : vector<400x1xi32> to vector<400x528xi32>
      %eq3A_419 = arith.cmpi eq, %concatenate3A_59, %eq3A_418 : vector<400x528xi32>
      %jit3A_420 = arith.constant 0x7F800000 : f32
      %broadcast_in_dim3A_421 = vector.broadcast %jit3A_420 : f32 to vector<400x528xf32>
      %select_n3A_422 = arith.select %eq3A_419, %broadcast_in_dim3A_421, %select_n3A_394 : vector<400x528xi1>, vector<400x528xf32>
      %reduce_min3A_423 = arith.constant dense<0x7F800000> : vector<400xf32>
      %reduce_min3A_424 = vector.multi_reduction <minimumf>, %select_n3A_422, %reduce_min3A_423 [1] : vector<400x528xf32> to vector<400xf32>
      %broadcast_in_dim3A_425 = vector.shape_cast %reduce_min3A_424 : vector<400xf32> to vector<400x1xf32>
      %eq3A_426 = vector.broadcast %broadcast_in_dim3A_425 : vector<400x1xf32> to vector<400x528xf32>
      %eq3A_427 = arith.cmpf oeq, %select_n3A_422, %eq3A_426 : vector<400x528xf32>
      %jit3A_428 = arith.constant 1073741824 : i32
      %broadcast_in_dim3A_429 = vector.broadcast %jit3A_428 : i32 to vector<400x528xi32>
      %select_n3A_430 = arith.select %eq3A_427, %concatenate3A_59, %broadcast_in_dim3A_429 : vector<400x528xi1>, vector<400x528xi32>
      %reduce_min3A_431 = arith.constant dense<2147483647> : vector<400xi32>
      %reduce_min3A_432 = vector.multi_reduction <minsi>, %select_n3A_430, %reduce_min3A_431 [1] : vector<400x528xi32> to vector<400xi32>
      %broadcast_in_dim3A_433 = vector.shape_cast %reduce_min3A_432 : vector<400xi32> to vector<400x1xi32>
      %eq3A_434 = arith.constant 13 : i32
      %eq3A_435 = vector.broadcast %eq3A_434 : i32 to vector<400x16xi32>
      %eq3A_436 = arith.cmpi eq, %iota3A, %eq3A_435 : vector<400x16xi32>
      %broadcast_in_dim3A_437 = vector.shape_cast %broadcast_in_dim3A_425 : vector<400x1xf32> to vector<400x1xf32>
      %broadcast_in_dim3A_438 = vector.broadcast %broadcast_in_dim3A_437 : vector<400x1xf32> to vector<400x16xf32>
      %select_n3A_439 = arith.select %eq3A_436, %broadcast_in_dim3A_438, %select_n3A_411 : vector<400x16xi1>, vector<400x16xf32>
      %eq3A_440 = arith.constant 13 : i32
      %eq3A_441 = vector.broadcast %eq3A_440 : i32 to vector<400x16xi32>
      %eq3A_442 = arith.cmpi eq, %iota3A, %eq3A_441 : vector<400x16xi32>
      %broadcast_in_dim3A_443 = vector.shape_cast %broadcast_in_dim3A_433 : vector<400x1xi32> to vector<400x1xi32>
      %broadcast_in_dim3A_444 = vector.broadcast %broadcast_in_dim3A_443 : vector<400x1xi32> to vector<400x16xi32>
      %select_n3A_445 = arith.select %eq3A_442, %broadcast_in_dim3A_444, %select_n3A_417 : vector<400x16xi1>, vector<400x16xi32>
      %eq3A_446 = vector.broadcast %broadcast_in_dim3A_433 : vector<400x1xi32> to vector<400x528xi32>
      %eq3A_447 = arith.cmpi eq, %concatenate3A_59, %eq3A_446 : vector<400x528xi32>
      %jit3A_448 = arith.constant 0x7F800000 : f32
      %broadcast_in_dim3A_449 = vector.broadcast %jit3A_448 : f32 to vector<400x528xf32>
      %select_n3A_450 = arith.select %eq3A_447, %broadcast_in_dim3A_449, %select_n3A_422 : vector<400x528xi1>, vector<400x528xf32>
      %reduce_min3A_451 = arith.constant dense<0x7F800000> : vector<400xf32>
      %reduce_min3A_452 = vector.multi_reduction <minimumf>, %select_n3A_450, %reduce_min3A_451 [1] : vector<400x528xf32> to vector<400xf32>
      %broadcast_in_dim3A_453 = vector.shape_cast %reduce_min3A_452 : vector<400xf32> to vector<400x1xf32>
      %eq3A_454 = vector.broadcast %broadcast_in_dim3A_453 : vector<400x1xf32> to vector<400x528xf32>
      %eq3A_455 = arith.cmpf oeq, %select_n3A_450, %eq3A_454 : vector<400x528xf32>
      %jit3A_456 = arith.constant 1073741824 : i32
      %broadcast_in_dim3A_457 = vector.broadcast %jit3A_456 : i32 to vector<400x528xi32>
      %select_n3A_458 = arith.select %eq3A_455, %concatenate3A_59, %broadcast_in_dim3A_457 : vector<400x528xi1>, vector<400x528xi32>
      %reduce_min3A_459 = arith.constant dense<2147483647> : vector<400xi32>
      %reduce_min3A_460 = vector.multi_reduction <minsi>, %select_n3A_458, %reduce_min3A_459 [1] : vector<400x528xi32> to vector<400xi32>
      %broadcast_in_dim3A_461 = vector.shape_cast %reduce_min3A_460 : vector<400xi32> to vector<400x1xi32>
      %eq3A_462 = arith.constant 14 : i32
      %eq3A_463 = vector.broadcast %eq3A_462 : i32 to vector<400x16xi32>
      %eq3A_464 = arith.cmpi eq, %iota3A, %eq3A_463 : vector<400x16xi32>
      %broadcast_in_dim3A_465 = vector.shape_cast %broadcast_in_dim3A_453 : vector<400x1xf32> to vector<400x1xf32>
      %broadcast_in_dim3A_466 = vector.broadcast %broadcast_in_dim3A_465 : vector<400x1xf32> to vector<400x16xf32>
      %select_n3A_467 = arith.select %eq3A_464, %broadcast_in_dim3A_466, %select_n3A_439 : vector<400x16xi1>, vector<400x16xf32>
      %eq3A_468 = arith.constant 14 : i32
      %eq3A_469 = vector.broadcast %eq3A_468 : i32 to vector<400x16xi32>
      %eq3A_470 = arith.cmpi eq, %iota3A, %eq3A_469 : vector<400x16xi32>
      %broadcast_in_dim3A_471 = vector.shape_cast %broadcast_in_dim3A_461 : vector<400x1xi32> to vector<400x1xi32>
      %broadcast_in_dim3A_472 = vector.broadcast %broadcast_in_dim3A_471 : vector<400x1xi32> to vector<400x16xi32>
      %select_n3A_473 = arith.select %eq3A_470, %broadcast_in_dim3A_472, %select_n3A_445 : vector<400x16xi1>, vector<400x16xi32>
      %eq3A_474 = vector.broadcast %broadcast_in_dim3A_461 : vector<400x1xi32> to vector<400x528xi32>
      %eq3A_475 = arith.cmpi eq, %concatenate3A_59, %eq3A_474 : vector<400x528xi32>
      %jit3A_476 = arith.constant 0x7F800000 : f32
      %broadcast_in_dim3A_477 = vector.broadcast %jit3A_476 : f32 to vector<400x528xf32>
      %select_n3A_478 = arith.select %eq3A_475, %broadcast_in_dim3A_477, %select_n3A_450 : vector<400x528xi1>, vector<400x528xf32>
      %reduce_min3A_479 = arith.constant dense<0x7F800000> : vector<400xf32>
      %reduce_min3A_480 = vector.multi_reduction <minimumf>, %select_n3A_478, %reduce_min3A_479 [1] : vector<400x528xf32> to vector<400xf32>
      %broadcast_in_dim3A_481 = vector.shape_cast %reduce_min3A_480 : vector<400xf32> to vector<400x1xf32>
      %eq3A_482 = vector.broadcast %broadcast_in_dim3A_481 : vector<400x1xf32> to vector<400x528xf32>
      %eq3A_483 = arith.cmpf oeq, %select_n3A_478, %eq3A_482 : vector<400x528xf32>
      %jit3A_484 = arith.constant 1073741824 : i32
      %broadcast_in_dim3A_485 = vector.broadcast %jit3A_484 : i32 to vector<400x528xi32>
      %select_n3A_486 = arith.select %eq3A_483, %concatenate3A_59, %broadcast_in_dim3A_485 : vector<400x528xi1>, vector<400x528xi32>
      %reduce_min3A_487 = arith.constant dense<2147483647> : vector<400xi32>
      %reduce_min3A_488 = vector.multi_reduction <minsi>, %select_n3A_486, %reduce_min3A_487 [1] : vector<400x528xi32> to vector<400xi32>
      %broadcast_in_dim3A_489 = vector.shape_cast %reduce_min3A_488 : vector<400xi32> to vector<400x1xi32>
      %eq3A_490 = arith.constant 15 : i32
      %eq3A_491 = vector.broadcast %eq3A_490 : i32 to vector<400x16xi32>
      %eq3A_492 = arith.cmpi eq, %iota3A, %eq3A_491 : vector<400x16xi32>
      %broadcast_in_dim3A_493 = vector.shape_cast %broadcast_in_dim3A_481 : vector<400x1xf32> to vector<400x1xf32>
      %broadcast_in_dim3A_494 = vector.broadcast %broadcast_in_dim3A_493 : vector<400x1xf32> to vector<400x16xf32>
      %select_n3A_495 = arith.select %eq3A_492, %broadcast_in_dim3A_494, %select_n3A_467 : vector<400x16xi1>, vector<400x16xf32>
      %eq3A_496 = arith.constant 15 : i32
      %eq3A_497 = vector.broadcast %eq3A_496 : i32 to vector<400x16xi32>
      %eq3A_498 = arith.cmpi eq, %iota3A, %eq3A_497 : vector<400x16xi32>
      %broadcast_in_dim3A_499 = vector.shape_cast %broadcast_in_dim3A_489 : vector<400x1xi32> to vector<400x1xi32>
      %broadcast_in_dim3A_500 = vector.broadcast %broadcast_in_dim3A_499 : vector<400x1xi32> to vector<400x16xi32>
      %select_n3A_501 = arith.select %eq3A_498, %broadcast_in_dim3A_500, %select_n3A_473 : vector<400x16xi1>, vector<400x16xi32>
      %eq3A_502 = vector.broadcast %broadcast_in_dim3A_489 : vector<400x1xi32> to vector<400x528xi32>
      %eq3A_503 = arith.cmpi eq, %concatenate3A_59, %eq3A_502 : vector<400x528xi32>
      %jit3A_504 = arith.constant 0x7F800000 : f32
      %broadcast_in_dim3A_505 = vector.broadcast %jit3A_504 : f32 to vector<400x528xf32>
      %select_n3A_506 = arith.select %eq3A_503, %broadcast_in_dim3A_505, %select_n3A_478 : vector<400x528xi1>, vector<400x528xf32>
      scf.yield %select_n3A_495, %select_n3A_501 : vector<400x16xf32>, vector<400x16xi32>
    }
    %jit3A = arith.constant 0 : i32
    %jit3A_27 = arith.constant 9999 : i32
    %max3A = vector.broadcast %jit3A : i32 to vector<400x16xi32>
    %max3A_28 = arith.maxsi %max3A, %while3A_26#1 : vector<400x16xi32>
    %min3A = vector.broadcast %jit3A_27 : i32 to vector<400x16xi32>
    %min3A_29 = arith.minsi %min3A, %max3A_28 : vector<400x16xi32>
    %swap3A = arith.constant 0 : index
    %swap3A_30 = arith.constant 0 : index
    %swap3A_31 = vector.load %arg8[%swap3A, %swap3A_30] : memref<400x16xi32, #tpu.memory_space<vmem>>, vector<400x16xi32>
    tpu.vector_store %arg8[%swap3A, %swap3A_30], %min3A_29 {strides = array<i32>} : memref<400x16xi32, #tpu.memory_space<vmem>>, vector<400x16xi32>,
    return
  }
  func.func @transform_0(%arg0: i32, %arg1: memref<2x25xi32, #tpu.memory_space<smem>>) -> (i32, i32) {
    %c0_i32 = arith.constant 0 : i32
    %c0_i32_0 = arith.constant 0 : i32
    return %arg0, %c0_i32 : i32, i32
  }
  func.func @transform_1(%arg0: i32, %arg1: memref<2x25xi32, #tpu.memory_space<smem>>) -> (i32, i32) {
    %c0_i32 = arith.constant 0 : i32
    %c0_i32_0 = arith.constant 0 : i32
    %c0_i32_1 = arith.constant 0 : i32
    return %c0_i32, %c0_i32_0 : i32, i32
  }
  func.func @transform_2(%arg0: i32, %arg1: memref<2x25xi32, #tpu.memory_space<smem>>) -> (i32, i32) {
    %c0_i32 = arith.constant 0 : i32
    %c0_i32_0 = arith.constant 0 : i32
    %c0_i32_1 = arith.constant 0 : i32
    return %c0_i32, %c0_i32_0 : i32, i32
  }
  func.func @transform_3(%arg0: i32, %arg1: memref<2x25xi32, #tpu.memory_space<smem>>) -> (i32, i32) {
    %c0_i32 = arith.constant 0 : i32
    %c0_i32_0 = arith.constant 0 : i32
    return %arg0, %c0_i32 : i32, i32
  }
  func.func @transform_4(%arg0: i32, %arg1: memref<2x25xi32, #tpu.memory_space<smem>>) -> (i32, i32) {
    %c0_i32 = arith.constant 0 : i32
    %c0_i32_0 = arith.constant 0 : i32
    return %arg0, %c0_i32 : i32, i32
  }
  func.func @transform_5(%arg0: i32, %arg1: memref<2x25xi32, #tpu.memory_space<smem>>) -> (i32, i32) {
    %c0_i32 = arith.constant 0 : i32
    %c0_i32_0 = arith.constant 0 : i32
    %c0_i32_1 = arith.constant 0 : i32
    return %c0_i32, %c0_i32_0 : i32, i32
  }
  func.func @transform_6(%arg0: i32, %arg1: memref<2x25xi32, #tpu.memory_space<smem>>) -> (i32, i32) {
    %c0_i32 = arith.constant 0 : i32
    %c0_i32_0 = arith.constant 0 : i32
    return %arg0, %c0_i32 : i32, i32
  }
}

module attributes {stable_mosaic.version = 14 : i64} {
  func.func @_mlp_body(%arg0: i32, %arg1: memref<400x64xf32, #tpu.memory_space<vmem>>, %arg2: memref<6400x64xf32, #tpu.memory_space<vmem>>, %arg3: memref<128x64xf32, #tpu.memory_space<vmem>>, %arg4: memref<1x64xf32, #tpu.memory_space<vmem>>, %arg5: memref<64x64xf32, #tpu.memory_space<vmem>>, %arg6: memref<1x64xf32, #tpu.memory_space<vmem>>, %arg7: memref<400x64xf32, #tpu.memory_space<vmem>>) attributes {dimension_semantics = [#tpu.dimension_semantics<arbitrary>], iteration_bounds = array<i64: 25>, scalar_prefetch = 0 : i64, scratch_operands = 0 : i64, tpu.core_type = #tpu.core_type<tc>, window_params = [{transform_indices = @transform_0, window_bounds = array<i64: 400, 64>}, {transform_indices = @transform_1, window_bounds = array<i64: 6400, 64>}, {pipeline_mode = #tpu.pipeline_mode<synchronous>, transform_indices = @transform_2, window_bounds = array<i64: 128, 64>}, {pipeline_mode = #tpu.pipeline_mode<synchronous>, transform_indices = @transform_3, window_bounds = array<i64: 1, 64>}, {pipeline_mode = #tpu.pipeline_mode<synchronous>, transform_indices = @transform_4, window_bounds = array<i64: 64, 64>}, {pipeline_mode = #tpu.pipeline_mode<synchronous>, transform_indices = @transform_5, window_bounds = array<i64: 1, 64>}, {transform_indices = @transform_6, window_bounds = array<i64: 400, 64>}]} {
    %get3A = arith.constant 0 : index
    %get3A_0 = arith.constant 0 : index
    %get3A_1 = vector.load %arg1[%get3A, %get3A_0] : memref<400x64xf32, #tpu.memory_space<vmem>>, vector<400x64xf32>
    %get3A_2 = arith.constant 0 : index
    %get3A_3 = arith.constant 0 : index
    %get3A_4 = vector.load %arg2[%get3A_2, %get3A_3] : memref<6400x64xf32, #tpu.memory_space<vmem>>, vector<6400x64xf32>
    %broadcast_in_dim3A = vector.shape_cast %get3A_1 : vector<400x64xf32> to vector<400x1x64xf32>
    %broadcast_in_dim3A_5 = vector.shape_cast %broadcast_in_dim3A : vector<400x1x64xf32> to vector<400x1x64xf32>
    %broadcast_in_dim3A_6 = vector.broadcast %broadcast_in_dim3A_5 : vector<400x1x64xf32> to vector<400x16x64xf32>
    %reshape3A = vector.shape_cast %broadcast_in_dim3A_6 : vector<400x16x64xf32> to vector<6400x64xf32>
    %sub3A = arith.subf %get3A_4, %reshape3A : vector<6400x64xf32>
    %concatenate3A = tpu.concatenate %reshape3A, %sub3A in 1 : vector<6400x64xf32>, vector<6400x64xf32> -> vector<6400x128xf32>
    %get3A_7 = arith.constant 0 : index
    %get3A_8 = arith.constant 0 : index
    %get3A_9 = vector.load %arg3[%get3A_7, %get3A_8] : memref<128x64xf32, #tpu.memory_space<vmem>>, vector<128x64xf32>
    %dot_general3A = arith.constant dense<0.000000e+00> : vector<6400x64xf32>
    %dot_general3A_10 = tpu.matmul %concatenate3A, %get3A_9, %dot_general3A {dimension_numbers = #tpu.dot_dimension_numbers<[1], [0], [0], [1], [0, 0, 1, 1], [], []>, transpose_lhs_hint = false} : vector<6400x128xf32>, vector<128x64xf32>, vector<6400x64xf32> -> vector<6400x64xf32>
    %get3A_11 = arith.constant 0 : index
    %get3A_12 = arith.constant 0 : index
    %get3A_13 = vector.load %arg4[%get3A_11, %get3A_12] : memref<1x64xf32, #tpu.memory_space<vmem>>, vector<1x64xf32>
    %add3A = vector.broadcast %get3A_13 : vector<1x64xf32> to vector<6400x64xf32>
    %add3A_14 = arith.addf %dot_general3A_10, %add3A : vector<6400x64xf32>
    %gt3A = arith.constant 0.000000e+00 : f32
    %gt3A_15 = vector.broadcast %gt3A : f32 to vector<6400x64xf32>
    %gt3A_16 = arith.cmpf ogt, %add3A_14, %gt3A_15 : vector<6400x64xf32>
    %min3A = arith.constant 0.000000e+00 : f32
    %min3A_17 = vector.broadcast %min3A : f32 to vector<6400x64xf32>
    %min3A_18 = arith.minimumf %add3A_14, %min3A_17 : vector<6400x64xf32>
    %mul3A = arith.constant 1.98412701E-4 : f32
    %mul3A_19 = vector.broadcast %mul3A : f32 to vector<6400x64xf32>
    %mul3A_20 = arith.mulf %min3A_18, %mul3A_19 : vector<6400x64xf32>
    %add3A_21 = arith.constant 0.00138888892 : f32
    %add3A_22 = vector.broadcast %add3A_21 : f32 to vector<6400x64xf32>
    %add3A_23 = arith.addf %add3A_22, %mul3A_20 : vector<6400x64xf32>
    %mul3A_24 = arith.mulf %min3A_18, %add3A_23 : vector<6400x64xf32>
    %add3A_25 = arith.constant 0.00833333377 : f32
    %add3A_26 = vector.broadcast %add3A_25 : f32 to vector<6400x64xf32>
    %add3A_27 = arith.addf %add3A_26, %mul3A_24 : vector<6400x64xf32>
    %mul3A_28 = arith.mulf %min3A_18, %add3A_27 : vector<6400x64xf32>
    %add3A_29 = arith.constant 0.0416666679 : f32
    %add3A_30 = vector.broadcast %add3A_29 : f32 to vector<6400x64xf32>
    %add3A_31 = arith.addf %add3A_30, %mul3A_28 : vector<6400x64xf32>
    %mul3A_32 = arith.mulf %min3A_18, %add3A_31 : vector<6400x64xf32>
    %add3A_33 = arith.constant 0.166666672 : f32
    %add3A_34 = vector.broadcast %add3A_33 : f32 to vector<6400x64xf32>
    %add3A_35 = arith.addf %add3A_34, %mul3A_32 : vector<6400x64xf32>
    %mul3A_36 = arith.mulf %min3A_18, %add3A_35 : vector<6400x64xf32>
    %add3A_37 = arith.constant 5.000000e-01 : f32
    %add3A_38 = vector.broadcast %add3A_37 : f32 to vector<6400x64xf32>
    %add3A_39 = arith.addf %add3A_38, %mul3A_36 : vector<6400x64xf32>
    %mul3A_40 = arith.mulf %min3A_18, %add3A_39 : vector<6400x64xf32>
    %add3A_41 = arith.constant 1.000000e+00 : f32
    %add3A_42 = vector.broadcast %add3A_41 : f32 to vector<6400x64xf32>
    %add3A_43 = arith.addf %add3A_42, %mul3A_40 : vector<6400x64xf32>
    %mul3A_44 = arith.mulf %min3A_18, %add3A_43 : vector<6400x64xf32>
    %lt3A = arith.constant -3.500000e-01 : f32
    %lt3A_45 = vector.broadcast %lt3A : f32 to vector<6400x64xf32>
    %lt3A_46 = arith.cmpf olt, %min3A_18, %lt3A_45 : vector<6400x64xf32>
    %exp3A = math.exp %min3A_18 : vector<6400x64xf32>
    %sub3A_47 = arith.constant 1.000000e+00 : f32
    %sub3A_48 = vector.broadcast %sub3A_47 : f32 to vector<6400x64xf32>
    %sub3A_49 = arith.subf %exp3A, %sub3A_48 : vector<6400x64xf32>
    %select_n3A = arith.select %lt3A_46, %sub3A_49, %mul3A_44 : vector<6400x64xi1>, vector<6400x64xf32>
    %select_n3A_50 = arith.select %gt3A_16, %add3A_14, %select_n3A : vector<6400x64xi1>, vector<6400x64xf32>
    %get3A_51 = arith.constant 0 : index
    %get3A_52 = arith.constant 0 : index
    %get3A_53 = vector.load %arg5[%get3A_51, %get3A_52] : memref<64x64xf32, #tpu.memory_space<vmem>>, vector<64x64xf32>
    %dot_general3A_54 = arith.constant dense<0.000000e+00> : vector<6400x64xf32>
    %dot_general3A_55 = tpu.matmul %select_n3A_50, %get3A_53, %dot_general3A_54 {dimension_numbers = #tpu.dot_dimension_numbers<[1], [0], [0], [1], [0, 0, 1, 1], [], []>, transpose_lhs_hint = false} : vector<6400x64xf32>, vector<64x64xf32>, vector<6400x64xf32> -> vector<6400x64xf32>
    %get3A_56 = arith.constant 0 : index
    %get3A_57 = arith.constant 0 : index
    %get3A_58 = vector.load %arg6[%get3A_56, %get3A_57] : memref<1x64xf32, #tpu.memory_space<vmem>>, vector<1x64xf32>
    %add3A_59 = vector.broadcast %get3A_58 : vector<1x64xf32> to vector<6400x64xf32>
    %add3A_60 = arith.addf %dot_general3A_55, %add3A_59 : vector<6400x64xf32>
    %gt3A_61 = arith.constant 0.000000e+00 : f32
    %gt3A_62 = vector.broadcast %gt3A_61 : f32 to vector<6400x64xf32>
    %gt3A_63 = arith.cmpf ogt, %add3A_60, %gt3A_62 : vector<6400x64xf32>
    %min3A_64 = arith.constant 0.000000e+00 : f32
    %min3A_65 = vector.broadcast %min3A_64 : f32 to vector<6400x64xf32>
    %min3A_66 = arith.minimumf %add3A_60, %min3A_65 : vector<6400x64xf32>
    %mul3A_67 = arith.constant 1.98412701E-4 : f32
    %mul3A_68 = vector.broadcast %mul3A_67 : f32 to vector<6400x64xf32>
    %mul3A_69 = arith.mulf %min3A_66, %mul3A_68 : vector<6400x64xf32>
    %add3A_70 = arith.constant 0.00138888892 : f32
    %add3A_71 = vector.broadcast %add3A_70 : f32 to vector<6400x64xf32>
    %add3A_72 = arith.addf %add3A_71, %mul3A_69 : vector<6400x64xf32>
    %mul3A_73 = arith.mulf %min3A_66, %add3A_72 : vector<6400x64xf32>
    %add3A_74 = arith.constant 0.00833333377 : f32
    %add3A_75 = vector.broadcast %add3A_74 : f32 to vector<6400x64xf32>
    %add3A_76 = arith.addf %add3A_75, %mul3A_73 : vector<6400x64xf32>
    %mul3A_77 = arith.mulf %min3A_66, %add3A_76 : vector<6400x64xf32>
    %add3A_78 = arith.constant 0.0416666679 : f32
    %add3A_79 = vector.broadcast %add3A_78 : f32 to vector<6400x64xf32>
    %add3A_80 = arith.addf %add3A_79, %mul3A_77 : vector<6400x64xf32>
    %mul3A_81 = arith.mulf %min3A_66, %add3A_80 : vector<6400x64xf32>
    %add3A_82 = arith.constant 0.166666672 : f32
    %add3A_83 = vector.broadcast %add3A_82 : f32 to vector<6400x64xf32>
    %add3A_84 = arith.addf %add3A_83, %mul3A_81 : vector<6400x64xf32>
    %mul3A_85 = arith.mulf %min3A_66, %add3A_84 : vector<6400x64xf32>
    %add3A_86 = arith.constant 5.000000e-01 : f32
    %add3A_87 = vector.broadcast %add3A_86 : f32 to vector<6400x64xf32>
    %add3A_88 = arith.addf %add3A_87, %mul3A_85 : vector<6400x64xf32>
    %mul3A_89 = arith.mulf %min3A_66, %add3A_88 : vector<6400x64xf32>
    %add3A_90 = arith.constant 1.000000e+00 : f32
    %add3A_91 = vector.broadcast %add3A_90 : f32 to vector<6400x64xf32>
    %add3A_92 = arith.addf %add3A_91, %mul3A_89 : vector<6400x64xf32>
    %mul3A_93 = arith.mulf %min3A_66, %add3A_92 : vector<6400x64xf32>
    %lt3A_94 = arith.constant -3.500000e-01 : f32
    %lt3A_95 = vector.broadcast %lt3A_94 : f32 to vector<6400x64xf32>
    %lt3A_96 = arith.cmpf olt, %min3A_66, %lt3A_95 : vector<6400x64xf32>
    %exp3A_97 = math.exp %min3A_66 : vector<6400x64xf32>
    %sub3A_98 = arith.constant 1.000000e+00 : f32
    %sub3A_99 = vector.broadcast %sub3A_98 : f32 to vector<6400x64xf32>
    %sub3A_100 = arith.subf %exp3A_97, %sub3A_99 : vector<6400x64xf32>
    %select_n3A_101 = arith.select %lt3A_96, %sub3A_100, %mul3A_93 : vector<6400x64xi1>, vector<6400x64xf32>
    %select_n3A_102 = arith.select %gt3A_63, %add3A_60, %select_n3A_101 : vector<6400x64xi1>, vector<6400x64xf32>
    %reshape3A_103 = vector.shape_cast %select_n3A_102 : vector<6400x64xf32> to vector<400x16x64xf32>
    %reduce_sum3A = arith.constant dense<0.000000e+00> : vector<400x64xf32>
    %reduce_sum3A_104 = vector.multi_reduction <add>, %reshape3A_103, %reduce_sum3A [1] : vector<400x16x64xf32> to vector<400x64xf32>
    %swap3A = arith.constant 0 : index
    %swap3A_105 = arith.constant 0 : index
    %swap3A_106 = vector.load %arg7[%swap3A, %swap3A_105] : memref<400x64xf32, #tpu.memory_space<vmem>>, vector<400x64xf32>
    tpu.vector_store %arg7[%swap3A, %swap3A_105], %reduce_sum3A_104 {strides = array<i32>} : memref<400x64xf32, #tpu.memory_space<vmem>>, vector<400x64xf32>,
    return
  }
  func.func @transform_0(%arg0: i32) -> (i32, i32) {
    %c0_i32 = arith.constant 0 : i32
    %c0_i32_0 = arith.constant 0 : i32
    return %arg0, %c0_i32 : i32, i32
  }
  func.func @transform_1(%arg0: i32) -> (i32, i32) {
    %c0_i32 = arith.constant 0 : i32
    %c0_i32_0 = arith.constant 0 : i32
    return %arg0, %c0_i32 : i32, i32
  }
  func.func @transform_2(%arg0: i32) -> (i32, i32) {
    %c0_i32 = arith.constant 0 : i32
    %c0_i32_0 = arith.constant 0 : i32
    %c0_i32_1 = arith.constant 0 : i32
    return %c0_i32, %c0_i32_0 : i32, i32
  }
  func.func @transform_3(%arg0: i32) -> (i32, i32) {
    %c0_i32 = arith.constant 0 : i32
    %c0_i32_0 = arith.constant 0 : i32
    %c0_i32_1 = arith.constant 0 : i32
    return %c0_i32, %c0_i32_0 : i32, i32
  }
  func.func @transform_4(%arg0: i32) -> (i32, i32) {
    %c0_i32 = arith.constant 0 : i32
    %c0_i32_0 = arith.constant 0 : i32
    %c0_i32_1 = arith.constant 0 : i32
    return %c0_i32, %c0_i32_0 : i32, i32
  }
  func.func @transform_5(%arg0: i32) -> (i32, i32) {
    %c0_i32 = arith.constant 0 : i32
    %c0_i32_0 = arith.constant 0 : i32
    %c0_i32_1 = arith.constant 0 : i32
    return %c0_i32, %c0_i32_0 : i32, i32
  }
  func.func @transform_6(%arg0: i32) -> (i32, i32) {
    %c0_i32 = arith.constant 0 : i32
    %c0_i32_0 = arith.constant 0 : i32
    return %arg0, %c0_i32 : i32, i32
  }
}

module attributes {stable_mosaic.version = 14 : i64} {
  func.func @_mlp_body(%arg0: i32, %arg1: memref<400x64xf32, #tpu.memory_space<vmem>>, %arg2: memref<6400x64xf32, #tpu.memory_space<vmem>>, %arg3: memref<128x64xf32, #tpu.memory_space<vmem>>, %arg4: memref<1x64xf32, #tpu.memory_space<vmem>>, %arg5: memref<64x64xf32, #tpu.memory_space<vmem>>, %arg6: memref<1x64xf32, #tpu.memory_space<vmem>>, %arg7: memref<400x64xf32, #tpu.memory_space<vmem>>) attributes {dimension_semantics = [#tpu.dimension_semantics<arbitrary>], iteration_bounds = array<i64: 25>, scalar_prefetch = 0 : i64, scratch_operands = 0 : i64, tpu.core_type = #tpu.core_type<tc>, window_params = [{transform_indices = @transform_0, window_bounds = array<i64: 400, 64>}, {transform_indices = @transform_1, window_bounds = array<i64: 6400, 64>}, {pipeline_mode = #tpu.pipeline_mode<synchronous>, transform_indices = @transform_2, window_bounds = array<i64: 128, 64>}, {pipeline_mode = #tpu.pipeline_mode<synchronous>, transform_indices = @transform_3, window_bounds = array<i64: 1, 64>}, {pipeline_mode = #tpu.pipeline_mode<synchronous>, transform_indices = @transform_4, window_bounds = array<i64: 64, 64>}, {pipeline_mode = #tpu.pipeline_mode<synchronous>, transform_indices = @transform_5, window_bounds = array<i64: 1, 64>}, {transform_indices = @transform_6, window_bounds = array<i64: 400, 64>}]} {
    %get3A = arith.constant 0 : index
    %get3A_0 = arith.constant 0 : index
    %get3A_1 = vector.load %arg1[%get3A, %get3A_0] : memref<400x64xf32, #tpu.memory_space<vmem>>, vector<400x64xf32>
    %get3A_2 = arith.constant 0 : index
    %get3A_3 = arith.constant 0 : index
    %get3A_4 = vector.load %arg2[%get3A_2, %get3A_3] : memref<6400x64xf32, #tpu.memory_space<vmem>>, vector<6400x64xf32>
    %broadcast_in_dim3A = vector.shape_cast %get3A_1 : vector<400x64xf32> to vector<400x1x64xf32>
    %broadcast_in_dim3A_5 = vector.shape_cast %broadcast_in_dim3A : vector<400x1x64xf32> to vector<400x1x64xf32>
    %broadcast_in_dim3A_6 = vector.broadcast %broadcast_in_dim3A_5 : vector<400x1x64xf32> to vector<400x16x64xf32>
    %reshape3A = vector.shape_cast %broadcast_in_dim3A_6 : vector<400x16x64xf32> to vector<6400x64xf32>
    %sub3A = arith.subf %get3A_4, %reshape3A : vector<6400x64xf32>
    %concatenate3A = tpu.concatenate %reshape3A, %sub3A in 1 : vector<6400x64xf32>, vector<6400x64xf32> -> vector<6400x128xf32>
    %get3A_7 = arith.constant 0 : index
    %get3A_8 = arith.constant 0 : index
    %get3A_9 = vector.load %arg3[%get3A_7, %get3A_8] : memref<128x64xf32, #tpu.memory_space<vmem>>, vector<128x64xf32>
    %dot_general3A = arith.constant dense<0.000000e+00> : vector<6400x64xf32>
    %dot_general3A_10 = tpu.matmul %concatenate3A, %get3A_9, %dot_general3A {dimension_numbers = #tpu.dot_dimension_numbers<[1], [0], [0], [1], [0, 0, 1, 1], [], []>, transpose_lhs_hint = false} : vector<6400x128xf32>, vector<128x64xf32>, vector<6400x64xf32> -> vector<6400x64xf32>
    %get3A_11 = arith.constant 0 : index
    %get3A_12 = arith.constant 0 : index
    %get3A_13 = vector.load %arg4[%get3A_11, %get3A_12] : memref<1x64xf32, #tpu.memory_space<vmem>>, vector<1x64xf32>
    %add3A = vector.broadcast %get3A_13 : vector<1x64xf32> to vector<6400x64xf32>
    %add3A_14 = arith.addf %dot_general3A_10, %add3A : vector<6400x64xf32>
    %gt3A = arith.constant 0.000000e+00 : f32
    %gt3A_15 = vector.broadcast %gt3A : f32 to vector<6400x64xf32>
    %gt3A_16 = arith.cmpf ogt, %add3A_14, %gt3A_15 : vector<6400x64xf32>
    %min3A = arith.constant 0.000000e+00 : f32
    %min3A_17 = vector.broadcast %min3A : f32 to vector<6400x64xf32>
    %min3A_18 = arith.minimumf %add3A_14, %min3A_17 : vector<6400x64xf32>
    %exp3A = math.exp %min3A_18 : vector<6400x64xf32>
    %sub3A_19 = arith.constant 1.000000e+00 : f32
    %sub3A_20 = vector.broadcast %sub3A_19 : f32 to vector<6400x64xf32>
    %sub3A_21 = arith.subf %exp3A, %sub3A_20 : vector<6400x64xf32>
    %select_n3A = arith.select %gt3A_16, %add3A_14, %sub3A_21 : vector<6400x64xi1>, vector<6400x64xf32>
    %get3A_22 = arith.constant 0 : index
    %get3A_23 = arith.constant 0 : index
    %get3A_24 = vector.load %arg5[%get3A_22, %get3A_23] : memref<64x64xf32, #tpu.memory_space<vmem>>, vector<64x64xf32>
    %dot_general3A_25 = arith.constant dense<0.000000e+00> : vector<6400x64xf32>
    %dot_general3A_26 = tpu.matmul %select_n3A, %get3A_24, %dot_general3A_25 {dimension_numbers = #tpu.dot_dimension_numbers<[1], [0], [0], [1], [0, 0, 1, 1], [], []>, transpose_lhs_hint = false} : vector<6400x64xf32>, vector<64x64xf32>, vector<6400x64xf32> -> vector<6400x64xf32>
    %get3A_27 = arith.constant 0 : index
    %get3A_28 = arith.constant 0 : index
    %get3A_29 = vector.load %arg6[%get3A_27, %get3A_28] : memref<1x64xf32, #tpu.memory_space<vmem>>, vector<1x64xf32>
    %add3A_30 = vector.broadcast %get3A_29 : vector<1x64xf32> to vector<6400x64xf32>
    %add3A_31 = arith.addf %dot_general3A_26, %add3A_30 : vector<6400x64xf32>
    %gt3A_32 = arith.constant 0.000000e+00 : f32
    %gt3A_33 = vector.broadcast %gt3A_32 : f32 to vector<6400x64xf32>
    %gt3A_34 = arith.cmpf ogt, %add3A_31, %gt3A_33 : vector<6400x64xf32>
    %min3A_35 = arith.constant 0.000000e+00 : f32
    %min3A_36 = vector.broadcast %min3A_35 : f32 to vector<6400x64xf32>
    %min3A_37 = arith.minimumf %add3A_31, %min3A_36 : vector<6400x64xf32>
    %exp3A_38 = math.exp %min3A_37 : vector<6400x64xf32>
    %sub3A_39 = arith.constant 1.000000e+00 : f32
    %sub3A_40 = vector.broadcast %sub3A_39 : f32 to vector<6400x64xf32>
    %sub3A_41 = arith.subf %exp3A_38, %sub3A_40 : vector<6400x64xf32>
    %select_n3A_42 = arith.select %gt3A_34, %add3A_31, %sub3A_41 : vector<6400x64xi1>, vector<6400x64xf32>
    %reshape3A_43 = vector.shape_cast %select_n3A_42 : vector<6400x64xf32> to vector<400x16x64xf32>
    %reduce_sum3A = arith.constant dense<0.000000e+00> : vector<400x64xf32>
    %reduce_sum3A_44 = vector.multi_reduction <add>, %reshape3A_43, %reduce_sum3A [1] : vector<400x16x64xf32> to vector<400x64xf32>
    %swap3A = arith.constant 0 : index
    %swap3A_45 = arith.constant 0 : index
    %swap3A_46 = vector.load %arg7[%swap3A, %swap3A_45] : memref<400x64xf32, #tpu.memory_space<vmem>>, vector<400x64xf32>
    tpu.vector_store %arg7[%swap3A, %swap3A_45], %reduce_sum3A_44 {strides = array<i32>} : memref<400x64xf32, #tpu.memory_space<vmem>>, vector<400x64xf32>,
    return
  }
  func.func @transform_0(%arg0: i32) -> (i32, i32) {
    %c0_i32 = arith.constant 0 : i32
    %c0_i32_0 = arith.constant 0 : i32
    return %arg0, %c0_i32 : i32, i32
  }
  func.func @transform_1(%arg0: i32) -> (i32, i32) {
    %c0_i32 = arith.constant 0 : i32
    %c0_i32_0 = arith.constant 0 : i32
    return %arg0, %c0_i32 : i32, i32
  }
  func.func @transform_2(%arg0: i32) -> (i32, i32) {
    %c0_i32 = arith.constant 0 : i32
    %c0_i32_0 = arith.constant 0 : i32
    %c0_i32_1 = arith.constant 0 : i32
    return %c0_i32, %c0_i32_0 : i32, i32
  }
  func.func @transform_3(%arg0: i32) -> (i32, i32) {
    %c0_i32 = arith.constant 0 : i32
    %c0_i32_0 = arith.constant 0 : i32
    %c0_i32_1 = arith.constant 0 : i32
    return %c0_i32, %c0_i32_0 : i32, i32
  }
  func.func @transform_4(%arg0: i32) -> (i32, i32) {
    %c0_i32 = arith.constant 0 : i32
    %c0_i32_0 = arith.constant 0 : i32
    %c0_i32_1 = arith.constant 0 : i32
    return %c0_i32, %c0_i32_0 : i32, i32
  }
  func.func @transform_5(%arg0: i32) -> (i32, i32) {
    %c0_i32 = arith.constant 0 : i32
    %c0_i32_0 = arith.constant 0 : i32
    %c0_i32_1 = arith.constant 0 : i32
    return %c0_i32, %c0_i32_0 : i32, i32
  }
  func.func @transform_6(%arg0: i32) -> (i32, i32) {
    %c0_i32 = arith.constant 0 : i32
    %c0_i32_0 = arith.constant 0 : i32
    return %arg0, %c0_i32 : i32, i32
  }
}

module attributes {stable_mosaic.version = 14 : i64} {
  func.func @_pool_body(%arg0: memref<10000x64xf32, #tpu.memory_space<vmem>>, %arg1: memref<10000x1xi32, #tpu.memory_space<vmem>>, %arg2: memref<64x64xf32, #tpu.memory_space<vmem>>, %arg3: memref<1x64xf32, #tpu.memory_space<vmem>>, %arg4: memref<64x32xf32, #tpu.memory_space<vmem>>, %arg5: memref<1x32xf32, #tpu.memory_space<vmem>>, %arg6: memref<32x1xf32, #tpu.memory_space<vmem>>, %arg7: memref<1x1xf32, #tpu.memory_space<vmem>>, %arg8: memref<16x1xf32, #tpu.memory_space<vmem>>) attributes {dimension_semantics = [], scalar_prefetch = 0 : i64, scratch_operands = 0 : i64, tpu.core_type = #tpu.core_type<tc>} {
    %get3A = arith.constant 0 : index
    %get3A_0 = arith.constant 0 : index
    %get3A_1 = vector.load %arg0[%get3A, %get3A_0] : memref<10000x64xf32, #tpu.memory_space<vmem>>, vector<10000x64xf32>
    %get3A_2 = arith.constant 0 : index
    %get3A_3 = arith.constant 0 : index
    %get3A_4 = vector.load %arg1[%get3A_2, %get3A_3] : memref<10000x1xi32, #tpu.memory_space<vmem>>, vector<10000x1xi32>
    %eq3A = arith.constant 0 : i32
    %eq3A_5 = vector.broadcast %eq3A : i32 to vector<10000x1xi32>
    %eq3A_6 = arith.cmpi eq, %get3A_4, %eq3A_5 : vector<10000x1xi32>
    %jit3A = arith.constant 0xFF800000 : f32
    %broadcast_in_dim3A = vector.shape_cast %eq3A_6 : vector<10000x1xi1> to vector<10000x1xi1>
    %broadcast_in_dim3A_7 = vector.broadcast %broadcast_in_dim3A : vector<10000x1xi1> to vector<10000x64xi1>
    %broadcast_in_dim3A_8 = vector.broadcast %jit3A : f32 to vector<10000x64xf32>
    %select_n3A = arith.select %broadcast_in_dim3A_7, %get3A_1, %broadcast_in_dim3A_8 : vector<10000x64xi1>, vector<10000x64xf32>
    %reduce_max3A = arith.constant dense<0xFF800000> : vector<64xf32>
    %reduce_max3A_9 = vector.multi_reduction <maximumf>, %select_n3A, %reduce_max3A [0] : vector<10000x64xf32> to vector<64xf32>
    %broadcast_in_dim3A_10 = vector.shape_cast %reduce_max3A_9 : vector<64xf32> to vector<1x64xf32>
    %eq3A_11 = arith.constant 1 : i32
    %eq3A_12 = vector.broadcast %eq3A_11 : i32 to vector<10000x1xi32>
    %eq3A_13 = arith.cmpi eq, %get3A_4, %eq3A_12 : vector<10000x1xi32>
    %jit3A_14 = arith.constant 0xFF800000 : f32
    %broadcast_in_dim3A_15 = vector.shape_cast %eq3A_13 : vector<10000x1xi1> to vector<10000x1xi1>
    %broadcast_in_dim3A_16 = vector.broadcast %broadcast_in_dim3A_15 : vector<10000x1xi1> to vector<10000x64xi1>
    %broadcast_in_dim3A_17 = vector.broadcast %jit3A_14 : f32 to vector<10000x64xf32>
    %select_n3A_18 = arith.select %broadcast_in_dim3A_16, %get3A_1, %broadcast_in_dim3A_17 : vector<10000x64xi1>, vector<10000x64xf32>
    %reduce_max3A_19 = arith.constant dense<0xFF800000> : vector<64xf32>
    %reduce_max3A_20 = vector.multi_reduction <maximumf>, %select_n3A_18, %reduce_max3A_19 [0] : vector<10000x64xf32> to vector<64xf32>
    %broadcast_in_dim3A_21 = vector.shape_cast %reduce_max3A_20 : vector<64xf32> to vector<1x64xf32>
    %eq3A_22 = arith.constant 2 : i32
    %eq3A_23 = vector.broadcast %eq3A_22 : i32 to vector<10000x1xi32>
    %eq3A_24 = arith.cmpi eq, %get3A_4, %eq3A_23 : vector<10000x1xi32>
    %jit3A_25 = arith.constant 0xFF800000 : f32
    %broadcast_in_dim3A_26 = vector.shape_cast %eq3A_24 : vector<10000x1xi1> to vector<10000x1xi1>
    %broadcast_in_dim3A_27 = vector.broadcast %broadcast_in_dim3A_26 : vector<10000x1xi1> to vector<10000x64xi1>
    %broadcast_in_dim3A_28 = vector.broadcast %jit3A_25 : f32 to vector<10000x64xf32>
    %select_n3A_29 = arith.select %broadcast_in_dim3A_27, %get3A_1, %broadcast_in_dim3A_28 : vector<10000x64xi1>, vector<10000x64xf32>
    %reduce_max3A_30 = arith.constant dense<0xFF800000> : vector<64xf32>
    %reduce_max3A_31 = vector.multi_reduction <maximumf>, %select_n3A_29, %reduce_max3A_30 [0] : vector<10000x64xf32> to vector<64xf32>
    %broadcast_in_dim3A_32 = vector.shape_cast %reduce_max3A_31 : vector<64xf32> to vector<1x64xf32>
    %eq3A_33 = arith.constant 3 : i32
    %eq3A_34 = vector.broadcast %eq3A_33 : i32 to vector<10000x1xi32>
    %eq3A_35 = arith.cmpi eq, %get3A_4, %eq3A_34 : vector<10000x1xi32>
    %jit3A_36 = arith.constant 0xFF800000 : f32
    %broadcast_in_dim3A_37 = vector.shape_cast %eq3A_35 : vector<10000x1xi1> to vector<10000x1xi1>
    %broadcast_in_dim3A_38 = vector.broadcast %broadcast_in_dim3A_37 : vector<10000x1xi1> to vector<10000x64xi1>
    %broadcast_in_dim3A_39 = vector.broadcast %jit3A_36 : f32 to vector<10000x64xf32>
    %select_n3A_40 = arith.select %broadcast_in_dim3A_38, %get3A_1, %broadcast_in_dim3A_39 : vector<10000x64xi1>, vector<10000x64xf32>
    %reduce_max3A_41 = arith.constant dense<0xFF800000> : vector<64xf32>
    %reduce_max3A_42 = vector.multi_reduction <maximumf>, %select_n3A_40, %reduce_max3A_41 [0] : vector<10000x64xf32> to vector<64xf32>
    %broadcast_in_dim3A_43 = vector.shape_cast %reduce_max3A_42 : vector<64xf32> to vector<1x64xf32>
    %eq3A_44 = arith.constant 4 : i32
    %eq3A_45 = vector.broadcast %eq3A_44 : i32 to vector<10000x1xi32>
    %eq3A_46 = arith.cmpi eq, %get3A_4, %eq3A_45 : vector<10000x1xi32>
    %jit3A_47 = arith.constant 0xFF800000 : f32
    %broadcast_in_dim3A_48 = vector.shape_cast %eq3A_46 : vector<10000x1xi1> to vector<10000x1xi1>
    %broadcast_in_dim3A_49 = vector.broadcast %broadcast_in_dim3A_48 : vector<10000x1xi1> to vector<10000x64xi1>
    %broadcast_in_dim3A_50 = vector.broadcast %jit3A_47 : f32 to vector<10000x64xf32>
    %select_n3A_51 = arith.select %broadcast_in_dim3A_49, %get3A_1, %broadcast_in_dim3A_50 : vector<10000x64xi1>, vector<10000x64xf32>
    %reduce_max3A_52 = arith.constant dense<0xFF800000> : vector<64xf32>
    %reduce_max3A_53 = vector.multi_reduction <maximumf>, %select_n3A_51, %reduce_max3A_52 [0] : vector<10000x64xf32> to vector<64xf32>
    %broadcast_in_dim3A_54 = vector.shape_cast %reduce_max3A_53 : vector<64xf32> to vector<1x64xf32>
    %eq3A_55 = arith.constant 5 : i32
    %eq3A_56 = vector.broadcast %eq3A_55 : i32 to vector<10000x1xi32>
    %eq3A_57 = arith.cmpi eq, %get3A_4, %eq3A_56 : vector<10000x1xi32>
    %jit3A_58 = arith.constant 0xFF800000 : f32
    %broadcast_in_dim3A_59 = vector.shape_cast %eq3A_57 : vector<10000x1xi1> to vector<10000x1xi1>
    %broadcast_in_dim3A_60 = vector.broadcast %broadcast_in_dim3A_59 : vector<10000x1xi1> to vector<10000x64xi1>
    %broadcast_in_dim3A_61 = vector.broadcast %jit3A_58 : f32 to vector<10000x64xf32>
    %select_n3A_62 = arith.select %broadcast_in_dim3A_60, %get3A_1, %broadcast_in_dim3A_61 : vector<10000x64xi1>, vector<10000x64xf32>
    %reduce_max3A_63 = arith.constant dense<0xFF800000> : vector<64xf32>
    %reduce_max3A_64 = vector.multi_reduction <maximumf>, %select_n3A_62, %reduce_max3A_63 [0] : vector<10000x64xf32> to vector<64xf32>
    %broadcast_in_dim3A_65 = vector.shape_cast %reduce_max3A_64 : vector<64xf32> to vector<1x64xf32>
    %eq3A_66 = arith.constant 6 : i32
    %eq3A_67 = vector.broadcast %eq3A_66 : i32 to vector<10000x1xi32>
    %eq3A_68 = arith.cmpi eq, %get3A_4, %eq3A_67 : vector<10000x1xi32>
    %jit3A_69 = arith.constant 0xFF800000 : f32
    %broadcast_in_dim3A_70 = vector.shape_cast %eq3A_68 : vector<10000x1xi1> to vector<10000x1xi1>
    %broadcast_in_dim3A_71 = vector.broadcast %broadcast_in_dim3A_70 : vector<10000x1xi1> to vector<10000x64xi1>
    %broadcast_in_dim3A_72 = vector.broadcast %jit3A_69 : f32 to vector<10000x64xf32>
    %select_n3A_73 = arith.select %broadcast_in_dim3A_71, %get3A_1, %broadcast_in_dim3A_72 : vector<10000x64xi1>, vector<10000x64xf32>
    %reduce_max3A_74 = arith.constant dense<0xFF800000> : vector<64xf32>
    %reduce_max3A_75 = vector.multi_reduction <maximumf>, %select_n3A_73, %reduce_max3A_74 [0] : vector<10000x64xf32> to vector<64xf32>
    %broadcast_in_dim3A_76 = vector.shape_cast %reduce_max3A_75 : vector<64xf32> to vector<1x64xf32>
    %eq3A_77 = arith.constant 7 : i32
    %eq3A_78 = vector.broadcast %eq3A_77 : i32 to vector<10000x1xi32>
    %eq3A_79 = arith.cmpi eq, %get3A_4, %eq3A_78 : vector<10000x1xi32>
    %jit3A_80 = arith.constant 0xFF800000 : f32
    %broadcast_in_dim3A_81 = vector.shape_cast %eq3A_79 : vector<10000x1xi1> to vector<10000x1xi1>
    %broadcast_in_dim3A_82 = vector.broadcast %broadcast_in_dim3A_81 : vector<10000x1xi1> to vector<10000x64xi1>
    %broadcast_in_dim3A_83 = vector.broadcast %jit3A_80 : f32 to vector<10000x64xf32>
    %select_n3A_84 = arith.select %broadcast_in_dim3A_82, %get3A_1, %broadcast_in_dim3A_83 : vector<10000x64xi1>, vector<10000x64xf32>
    %reduce_max3A_85 = arith.constant dense<0xFF800000> : vector<64xf32>
    %reduce_max3A_86 = vector.multi_reduction <maximumf>, %select_n3A_84, %reduce_max3A_85 [0] : vector<10000x64xf32> to vector<64xf32>
    %broadcast_in_dim3A_87 = vector.shape_cast %reduce_max3A_86 : vector<64xf32> to vector<1x64xf32>
    %eq3A_88 = arith.constant 8 : i32
    %eq3A_89 = vector.broadcast %eq3A_88 : i32 to vector<10000x1xi32>
    %eq3A_90 = arith.cmpi eq, %get3A_4, %eq3A_89 : vector<10000x1xi32>
    %jit3A_91 = arith.constant 0xFF800000 : f32
    %broadcast_in_dim3A_92 = vector.shape_cast %eq3A_90 : vector<10000x1xi1> to vector<10000x1xi1>
    %broadcast_in_dim3A_93 = vector.broadcast %broadcast_in_dim3A_92 : vector<10000x1xi1> to vector<10000x64xi1>
    %broadcast_in_dim3A_94 = vector.broadcast %jit3A_91 : f32 to vector<10000x64xf32>
    %select_n3A_95 = arith.select %broadcast_in_dim3A_93, %get3A_1, %broadcast_in_dim3A_94 : vector<10000x64xi1>, vector<10000x64xf32>
    %reduce_max3A_96 = arith.constant dense<0xFF800000> : vector<64xf32>
    %reduce_max3A_97 = vector.multi_reduction <maximumf>, %select_n3A_95, %reduce_max3A_96 [0] : vector<10000x64xf32> to vector<64xf32>
    %broadcast_in_dim3A_98 = vector.shape_cast %reduce_max3A_97 : vector<64xf32> to vector<1x64xf32>
    %eq3A_99 = arith.constant 9 : i32
    %eq3A_100 = vector.broadcast %eq3A_99 : i32 to vector<10000x1xi32>
    %eq3A_101 = arith.cmpi eq, %get3A_4, %eq3A_100 : vector<10000x1xi32>
    %jit3A_102 = arith.constant 0xFF800000 : f32
    %broadcast_in_dim3A_103 = vector.shape_cast %eq3A_101 : vector<10000x1xi1> to vector<10000x1xi1>
    %broadcast_in_dim3A_104 = vector.broadcast %broadcast_in_dim3A_103 : vector<10000x1xi1> to vector<10000x64xi1>
    %broadcast_in_dim3A_105 = vector.broadcast %jit3A_102 : f32 to vector<10000x64xf32>
    %select_n3A_106 = arith.select %broadcast_in_dim3A_104, %get3A_1, %broadcast_in_dim3A_105 : vector<10000x64xi1>, vector<10000x64xf32>
    %reduce_max3A_107 = arith.constant dense<0xFF800000> : vector<64xf32>
    %reduce_max3A_108 = vector.multi_reduction <maximumf>, %select_n3A_106, %reduce_max3A_107 [0] : vector<10000x64xf32> to vector<64xf32>
    %broadcast_in_dim3A_109 = vector.shape_cast %reduce_max3A_108 : vector<64xf32> to vector<1x64xf32>
    %eq3A_110 = arith.constant 10 : i32
    %eq3A_111 = vector.broadcast %eq3A_110 : i32 to vector<10000x1xi32>
    %eq3A_112 = arith.cmpi eq, %get3A_4, %eq3A_111 : vector<10000x1xi32>
    %jit3A_113 = arith.constant 0xFF800000 : f32
    %broadcast_in_dim3A_114 = vector.shape_cast %eq3A_112 : vector<10000x1xi1> to vector<10000x1xi1>
    %broadcast_in_dim3A_115 = vector.broadcast %broadcast_in_dim3A_114 : vector<10000x1xi1> to vector<10000x64xi1>
    %broadcast_in_dim3A_116 = vector.broadcast %jit3A_113 : f32 to vector<10000x64xf32>
    %select_n3A_117 = arith.select %broadcast_in_dim3A_115, %get3A_1, %broadcast_in_dim3A_116 : vector<10000x64xi1>, vector<10000x64xf32>
    %reduce_max3A_118 = arith.constant dense<0xFF800000> : vector<64xf32>
    %reduce_max3A_119 = vector.multi_reduction <maximumf>, %select_n3A_117, %reduce_max3A_118 [0] : vector<10000x64xf32> to vector<64xf32>
    %broadcast_in_dim3A_120 = vector.shape_cast %reduce_max3A_119 : vector<64xf32> to vector<1x64xf32>
    %eq3A_121 = arith.constant 11 : i32
    %eq3A_122 = vector.broadcast %eq3A_121 : i32 to vector<10000x1xi32>
    %eq3A_123 = arith.cmpi eq, %get3A_4, %eq3A_122 : vector<10000x1xi32>
    %jit3A_124 = arith.constant 0xFF800000 : f32
    %broadcast_in_dim3A_125 = vector.shape_cast %eq3A_123 : vector<10000x1xi1> to vector<10000x1xi1>
    %broadcast_in_dim3A_126 = vector.broadcast %broadcast_in_dim3A_125 : vector<10000x1xi1> to vector<10000x64xi1>
    %broadcast_in_dim3A_127 = vector.broadcast %jit3A_124 : f32 to vector<10000x64xf32>
    %select_n3A_128 = arith.select %broadcast_in_dim3A_126, %get3A_1, %broadcast_in_dim3A_127 : vector<10000x64xi1>, vector<10000x64xf32>
    %reduce_max3A_129 = arith.constant dense<0xFF800000> : vector<64xf32>
    %reduce_max3A_130 = vector.multi_reduction <maximumf>, %select_n3A_128, %reduce_max3A_129 [0] : vector<10000x64xf32> to vector<64xf32>
    %broadcast_in_dim3A_131 = vector.shape_cast %reduce_max3A_130 : vector<64xf32> to vector<1x64xf32>
    %eq3A_132 = arith.constant 12 : i32
    %eq3A_133 = vector.broadcast %eq3A_132 : i32 to vector<10000x1xi32>
    %eq3A_134 = arith.cmpi eq, %get3A_4, %eq3A_133 : vector<10000x1xi32>
    %jit3A_135 = arith.constant 0xFF800000 : f32
    %broadcast_in_dim3A_136 = vector.shape_cast %eq3A_134 : vector<10000x1xi1> to vector<10000x1xi1>
    %broadcast_in_dim3A_137 = vector.broadcast %broadcast_in_dim3A_136 : vector<10000x1xi1> to vector<10000x64xi1>
    %broadcast_in_dim3A_138 = vector.broadcast %jit3A_135 : f32 to vector<10000x64xf32>
    %select_n3A_139 = arith.select %broadcast_in_dim3A_137, %get3A_1, %broadcast_in_dim3A_138 : vector<10000x64xi1>, vector<10000x64xf32>
    %reduce_max3A_140 = arith.constant dense<0xFF800000> : vector<64xf32>
    %reduce_max3A_141 = vector.multi_reduction <maximumf>, %select_n3A_139, %reduce_max3A_140 [0] : vector<10000x64xf32> to vector<64xf32>
    %broadcast_in_dim3A_142 = vector.shape_cast %reduce_max3A_141 : vector<64xf32> to vector<1x64xf32>
    %eq3A_143 = arith.constant 13 : i32
    %eq3A_144 = vector.broadcast %eq3A_143 : i32 to vector<10000x1xi32>
    %eq3A_145 = arith.cmpi eq, %get3A_4, %eq3A_144 : vector<10000x1xi32>
    %jit3A_146 = arith.constant 0xFF800000 : f32
    %broadcast_in_dim3A_147 = vector.shape_cast %eq3A_145 : vector<10000x1xi1> to vector<10000x1xi1>
    %broadcast_in_dim3A_148 = vector.broadcast %broadcast_in_dim3A_147 : vector<10000x1xi1> to vector<10000x64xi1>
    %broadcast_in_dim3A_149 = vector.broadcast %jit3A_146 : f32 to vector<10000x64xf32>
    %select_n3A_150 = arith.select %broadcast_in_dim3A_148, %get3A_1, %broadcast_in_dim3A_149 : vector<10000x64xi1>, vector<10000x64xf32>
    %reduce_max3A_151 = arith.constant dense<0xFF800000> : vector<64xf32>
    %reduce_max3A_152 = vector.multi_reduction <maximumf>, %select_n3A_150, %reduce_max3A_151 [0] : vector<10000x64xf32> to vector<64xf32>
    %broadcast_in_dim3A_153 = vector.shape_cast %reduce_max3A_152 : vector<64xf32> to vector<1x64xf32>
    %eq3A_154 = arith.constant 14 : i32
    %eq3A_155 = vector.broadcast %eq3A_154 : i32 to vector<10000x1xi32>
    %eq3A_156 = arith.cmpi eq, %get3A_4, %eq3A_155 : vector<10000x1xi32>
    %jit3A_157 = arith.constant 0xFF800000 : f32
    %broadcast_in_dim3A_158 = vector.shape_cast %eq3A_156 : vector<10000x1xi1> to vector<10000x1xi1>
    %broadcast_in_dim3A_159 = vector.broadcast %broadcast_in_dim3A_158 : vector<10000x1xi1> to vector<10000x64xi1>
    %broadcast_in_dim3A_160 = vector.broadcast %jit3A_157 : f32 to vector<10000x64xf32>
    %select_n3A_161 = arith.select %broadcast_in_dim3A_159, %get3A_1, %broadcast_in_dim3A_160 : vector<10000x64xi1>, vector<10000x64xf32>
    %reduce_max3A_162 = arith.constant dense<0xFF800000> : vector<64xf32>
    %reduce_max3A_163 = vector.multi_reduction <maximumf>, %select_n3A_161, %reduce_max3A_162 [0] : vector<10000x64xf32> to vector<64xf32>
    %broadcast_in_dim3A_164 = vector.shape_cast %reduce_max3A_163 : vector<64xf32> to vector<1x64xf32>
    %eq3A_165 = arith.constant 15 : i32
    %eq3A_166 = vector.broadcast %eq3A_165 : i32 to vector<10000x1xi32>
    %eq3A_167 = arith.cmpi eq, %get3A_4, %eq3A_166 : vector<10000x1xi32>
    %jit3A_168 = arith.constant 0xFF800000 : f32
    %broadcast_in_dim3A_169 = vector.shape_cast %eq3A_167 : vector<10000x1xi1> to vector<10000x1xi1>
    %broadcast_in_dim3A_170 = vector.broadcast %broadcast_in_dim3A_169 : vector<10000x1xi1> to vector<10000x64xi1>
    %broadcast_in_dim3A_171 = vector.broadcast %jit3A_168 : f32 to vector<10000x64xf32>
    %select_n3A_172 = arith.select %broadcast_in_dim3A_170, %get3A_1, %broadcast_in_dim3A_171 : vector<10000x64xi1>, vector<10000x64xf32>
    %reduce_max3A_173 = arith.constant dense<0xFF800000> : vector<64xf32>
    %reduce_max3A_174 = vector.multi_reduction <maximumf>, %select_n3A_172, %reduce_max3A_173 [0] : vector<10000x64xf32> to vector<64xf32>
    %broadcast_in_dim3A_175 = vector.shape_cast %reduce_max3A_174 : vector<64xf32> to vector<1x64xf32>
    %concatenate3A = tpu.concatenate %broadcast_in_dim3A_10, %broadcast_in_dim3A_21, %broadcast_in_dim3A_32, %broadcast_in_dim3A_43, %broadcast_in_dim3A_54, %broadcast_in_dim3A_65, %broadcast_in_dim3A_76, %broadcast_in_dim3A_87, %broadcast_in_dim3A_98, %broadcast_in_dim3A_109, %broadcast_in_dim3A_120, %broadcast_in_dim3A_131, %broadcast_in_dim3A_142, %broadcast_in_dim3A_153, %broadcast_in_dim3A_164, %broadcast_in_dim3A_175 in 0 : vector<1x64xf32>, vector<1x64xf32>, vector<1x64xf32>, vector<1x64xf32>, vector<1x64xf32>, vector<1x64xf32>, vector<1x64xf32>, vector<1x64xf32>, vector<1x64xf32>, vector<1x64xf32>, vector<1x64xf32>, vector<1x64xf32>, vector<1x64xf32>, vector<1x64xf32>, vector<1x64xf32>, vector<1x64xf32> -> vector<16x64xf32>
    %get3A_176 = arith.constant 0 : index
    %get3A_177 = arith.constant 0 : index
    %get3A_178 = vector.load %arg2[%get3A_176, %get3A_177] : memref<64x64xf32, #tpu.memory_space<vmem>>, vector<64x64xf32>
    %dot_general3A = arith.constant dense<0.000000e+00> : vector<16x64xf32>
    %dot_general3A_179 = tpu.matmul %concatenate3A, %get3A_178, %dot_general3A {dimension_numbers = #tpu.dot_dimension_numbers<[1], [0], [0], [1], [0, 0, 1, 1], [], []>, transpose_lhs_hint = false} : vector<16x64xf32>, vector<64x64xf32>, vector<16x64xf32> -> vector<16x64xf32>
    %get3A_180 = arith.constant 0 : index
    %get3A_181 = arith.constant 0 : index
    %get3A_182 = vector.load %arg3[%get3A_180, %get3A_181] : memref<1x64xf32, #tpu.memory_space<vmem>>, vector<1x64xf32>
    %add3A = vector.broadcast %get3A_182 : vector<1x64xf32> to vector<16x64xf32>
    %add3A_183 = arith.addf %dot_general3A_179, %add3A : vector<16x64xf32>
    %gt3A = arith.constant 0.000000e+00 : f32
    %gt3A_184 = vector.broadcast %gt3A : f32 to vector<16x64xf32>
    %gt3A_185 = arith.cmpf ogt, %add3A_183, %gt3A_184 : vector<16x64xf32>
    %min3A = arith.constant 0.000000e+00 : f32
    %min3A_186 = vector.broadcast %min3A : f32 to vector<16x64xf32>
    %min3A_187 = arith.minimumf %add3A_183, %min3A_186 : vector<16x64xf32>
    %exp3A = math.exp %min3A_187 : vector<16x64xf32>
    %sub3A = arith.constant 1.000000e+00 : f32
    %sub3A_188 = vector.broadcast %sub3A : f32 to vector<16x64xf32>
    %sub3A_189 = arith.subf %exp3A, %sub3A_188 : vector<16x64xf32>
    %select_n3A_190 = arith.select %gt3A_185, %add3A_183, %sub3A_189 : vector<16x64xi1>, vector<16x64xf32>
    %get3A_191 = arith.constant 0 : index
    %get3A_192 = arith.constant 0 : index
    %get3A_193 = vector.load %arg4[%get3A_191, %get3A_192] : memref<64x32xf32, #tpu.memory_space<vmem>>, vector<64x32xf32>
    %dot_general3A_194 = arith.constant dense<0.000000e+00> : vector<16x32xf32>
    %dot_general3A_195 = tpu.matmul %select_n3A_190, %get3A_193, %dot_general3A_194 {dimension_numbers = #tpu.dot_dimension_numbers<[1], [0], [0], [1], [0, 0, 1, 1], [], []>, transpose_lhs_hint = false} : vector<16x64xf32>, vector<64x32xf32>, vector<16x32xf32> -> vector<16x32xf32>
    %get3A_196 = arith.constant 0 : index
    %get3A_197 = arith.constant 0 : index
    %get3A_198 = vector.load %arg5[%get3A_196, %get3A_197] : memref<1x32xf32, #tpu.memory_space<vmem>>, vector<1x32xf32>
    %add3A_199 = vector.broadcast %get3A_198 : vector<1x32xf32> to vector<16x32xf32>
    %add3A_200 = arith.addf %dot_general3A_195, %add3A_199 : vector<16x32xf32>
    %gt3A_201 = arith.constant 0.000000e+00 : f32
    %gt3A_202 = vector.broadcast %gt3A_201 : f32 to vector<16x32xf32>
    %gt3A_203 = arith.cmpf ogt, %add3A_200, %gt3A_202 : vector<16x32xf32>
    %min3A_204 = arith.constant 0.000000e+00 : f32
    %min3A_205 = vector.broadcast %min3A_204 : f32 to vector<16x32xf32>
    %min3A_206 = arith.minimumf %add3A_200, %min3A_205 : vector<16x32xf32>
    %exp3A_207 = math.exp %min3A_206 : vector<16x32xf32>
    %sub3A_208 = arith.constant 1.000000e+00 : f32
    %sub3A_209 = vector.broadcast %sub3A_208 : f32 to vector<16x32xf32>
    %sub3A_210 = arith.subf %exp3A_207, %sub3A_209 : vector<16x32xf32>
    %select_n3A_211 = arith.select %gt3A_203, %add3A_200, %sub3A_210 : vector<16x32xi1>, vector<16x32xf32>
    %get3A_212 = arith.constant 0 : index
    %get3A_213 = arith.constant 0 : index
    %get3A_214 = vector.load %arg6[%get3A_212, %get3A_213] : memref<32x1xf32, #tpu.memory_space<vmem>>, vector<32x1xf32>
    %dot_general3A_215 = arith.constant dense<0.000000e+00> : vector<16x1xf32>
    %dot_general3A_216 = tpu.matmul %select_n3A_211, %get3A_214, %dot_general3A_215 {dimension_numbers = #tpu.dot_dimension_numbers<[1], [0], [0], [1], [0, 0, 1, 1], [], []>, transpose_lhs_hint = false} : vector<16x32xf32>, vector<32x1xf32>, vector<16x1xf32> -> vector<16x1xf32>
    %get3A_217 = arith.constant 0 : index
    %get3A_218 = arith.constant 0 : index
    %get3A_219 = vector.load %arg7[%get3A_217, %get3A_218] : memref<1x1xf32, #tpu.memory_space<vmem>>, vector<1x1xf32>
    %add3A_220 = vector.broadcast %get3A_219 : vector<1x1xf32> to vector<16x1xf32>
    %add3A_221 = arith.addf %dot_general3A_216, %add3A_220 : vector<16x1xf32>
    %swap3A = arith.constant 0 : index
    %swap3A_222 = arith.constant 0 : index
    %swap3A_223 = vector.load %arg8[%swap3A, %swap3A_222] : memref<16x1xf32, #tpu.memory_space<vmem>>, vector<16x1xf32>
    tpu.vector_store %arg8[%swap3A, %swap3A_222], %add3A_221 {strides = array<i32>} : memref<16x1xf32, #tpu.memory_space<vmem>>, vector<16x1xf32>,
    return
  }
}

</mosaic_0001>

<sc_bundles>
// kernel: kernel.12.cloned.1.call-start
scs
__scs_entry_jumppad:
0x0: {  	(pc) =	sbr.rel $0x88, $3  }
0x1: {  	(tag) =	ssettag $0x0;
	lr =	simm.s32 $0x1  }
0x2: {  	[smem:$0x3F8C] =	sst lr;
	_ =	strace $0xD0000000  }
0x3: {  	_ = 	snop  }
0x4: {  	_ = 	snop  }
0x5: {  	_ = 	snop  }
0x6: {  	_ = 	snop  }
0x7: {  	_ = 	snop  }
__scs_overlays_trampoline_lowered:
0x8: {  	[smem:$0x3F9B] =	sst s0  }
0x9: {  	[smem:$0x3F9C] =	sst s1  }
0xa: {  	[smem:$0x3F9D] =	sst s2  }
0xb: {  	[smem:$0x3F9E] =	sst s3  }
0xc: {  	[smem:$0x3F9F] =	sst s4  }
0xd: {  	[smem:$0x3FA0] =	sst s5  }
0xe: {  	[smem:$0x3FA1] =	sst s6  }
0xf: {  	[smem:$0x3FA2] =	sst s7  }
0x10: {  	[smem:$0x3FA3] =	sst s8  }
0x11: {  	[smem:$0x3FA4] =	sst s9;
	s0 =	simm.s32 @!p0 $0x0  }
0x12: {  	s1 =	sld [smem:$0x3F8A];
	s0 =	simm.s32 @p0 $0x1  }
0x13: {  	[smem:$0x3FA5] =	sst s0;
	s0 =	simm.s32 @!p1 $0x0  }
0x14: {  	s2 =	sld [smem:$0x3F89];
	s0 =	simm.s32 @p1 $0x1  }
0x15: {  	[smem:$0x3FA6] =	sst s0;
	s0 =	simm.s32 @!p2 $0x0  }
0x16: {  	s3 =	sld [smem:$0x3FDB];
	s0 =	simm.s32 @p2 $0x1  }
0x17: {  	s4 =	simm.s32 $0x1BF5;
	[smem:$0x3FA8] =	sst s0  }
0x18: {  	s0 =	sld [smem:$0x3F8B];
	_ =	swait.ge [sflag:s4], $0x0  }
0x19: {  	s7 =	sld [smem:$0x3F8C]  }
0x1a: {  	s8 =	sadd.s32 $0xFFFFE003, lr  }
0x1b: {  	s9 =	sadd.s32 $0xFFFFFEF7, lr;
	s5 =	simm.s32 $0xFFFFFFFF;
	p2 =	slt.u32 s8, $0xFFFFF086  }
0x1c: {  	p1 =	slt.u32 s9, $0xF7A;
	s5 =	simm.s32 @!p2 $0x0  }
0x1d: {  	s5 =	simm.s32 @p1 $0x1;
	p0 =	seq.s32 s7, s2  }
0x1e: {  	s7 =	smul.u32 @!p0 $0xF7A, s2;
	p2 =	seq.s32 @!p0 s5, $0x0  }
0x1f: {  	s9 =	smul.u32 $0xF7A, s1;
	s8 =	simm.s32 @!p0 $0x1BF5;
	p2 =	por !p2, p0  }
0x20: {  	[sflag:s8] =	ssyncset.s32 @!p0 $0xFFFFF086;
	s6 =	sadd.s32 @!p0 s3, s7;
	s7 =	simm.s32 @!p0 $0x108  }
0x21: {  	s3 =	sadd.s32 s3, s9;
	s6 =	sadd.s32 @!p0 $0x88, s6;
	s7 =	simm.s32 @p2 $0x1082  }
0x22: {  	[simem:s7], [sflag:s8] =	dma.local @!p0 [hbm:s6], $0xF7A  }
0x23: {  	s9 =	sor.u32 $0xD0000000, s2;
	s6 =	simm.s32 $0x108;
	_ =	swait.ge @!p0 [sflag:s8], $0x0  }
0x24: {  	s3 =	sadd.s32 $0x88, s3;
	s6 =	simm.s32 @!p1 $0x1082;
	[sflag:s4] =	ssyncset.s32 $0xFFFFF086  }
0x25: {  	[simem:s6], [sflag:s4] =	dma.local [hbm:s3], $0xF7A  }
0x26: {  	[smem:$0x3F8C] =	sst s1;
	(tag) =	ssettag s2;
	_ =	strace s9  }
0x27: {  	s1 =	sld [smem:$0x3F9C]  }
0x28: {  	s2 =	sld [smem:$0x3F9D]  }
0x29: {  	s4 =	sld [smem:$0x3F9F]  }
0x2a: {  	p0 =	seq.s32 s5, $0x0;
	s5 =	sld [smem:$0x3FA0]  }
0x2b: {  	s6 =	sld [smem:$0x3FA1]  }
0x2c: {  	s7 =	sld [smem:$0x3FA2]  }
0x2d: {  	s3 =	simm.s32 $0x108;
	s8 =	sld [smem:$0x3FA3]  }
0x2e: {  	s3 =	simm.s32 @!p0 $0x1082;
	s9 =	sld [smem:$0x3FA4]  }
0x2f: {  	lr =	sadd.s32 s0, s3;
	s0 =	sld [smem:$0x3F9B]  }
0x30: {  	s3 =	sld [smem:$0x3F9E]  }
0x31: {  	[smem:$0x3FA7] =	sst s10  }
0x32: {  	s10 =	sld [smem:$0x3FA5];
	_ =	sdelay $0x3  }
0x33: {  	p0 =	seq.s32 s10, $0x1;
	s10 =	sld [smem:$0x3FA7];
	_ =	sdelay $0x3  }
0x34: {  	[smem:$0x3FA7] =	sst s10  }
0x35: {  	s10 =	sld [smem:$0x3FA6];
	_ =	sdelay $0x3  }
0x36: {  	p1 =	seq.s32 s10, $0x1;
	s10 =	sld [smem:$0x3FA7];
	_ =	sdelay $0x3  }
0x37: {  	[smem:$0x3FA7] =	sst s10  }
0x38: {  	s10 =	sld [smem:$0x3FA8]  }
0x39: {  	_ = 	snop;
	(pc) =	sbr.ind lr, $3  }
0x3a: {  	_ = 	snop  }
0x3b: {  	_ = 	snop  }
0x3c: {  	p2 =	seq.s32 s10, $0x1;
	s10 =	sld [smem:$0x3FA7]  }
0x3d: {  	_ =	shalt  }
0x3e: {  	_ =	shalt  }
0x3f: {  	_ =	shalt  }
0x40: {  	_ =	shalt  }
0x41: {  	_ =	shalt  }
0x42: {  	_ =	shalt  }
0x43: {  	_ =	shalt  }
0x44: {  	_ =	shalt  }
0x45: {  	_ =	shalt  }
0x46: {  	_ =	shalt  }
0x47: {  	_ =	shalt  }
0x48: {  	_ =	shalt  }
0x49: {  	_ =	shalt  }
0x4a: {  	_ =	shalt  }
0x4b: {  	_ =	shalt  }
0x4c: {  	_ =	shalt  }
0x4d: {  	_ =	shalt  }
0x4e: {  	_ =	shalt  }
0x4f: {  	_ =	shalt  }
0x50: {  	_ =	shalt  }
0x51: {  	_ =	shalt  }
0x52: {  	_ =	shalt  }
0x53: {  	_ =	shalt  }
0x54: {  	_ =	shalt  }
0x55: {  	_ =	shalt  }
0x56: {  	_ =	shalt  }
0x57: {  	_ =	shalt  }
0x58: {  	_ =	shalt  }
0x59: {  	_ =	shalt  }
0x5a: {  	_ =	shalt  }
0x5b: {  	_ =	shalt  }
0x5c: {  	_ =	shalt  }
0x5d: {  	_ =	shalt  }
0x5e: {  	_ =	shalt  }
0x5f: {  	_ =	shalt  }
0x60: {  	_ =	shalt  }
0x61: {  	_ =	shalt  }
0x62: {  	_ =	shalt  }
0x63: {  	_ =	shalt  }
0x64: {  	_ =	shalt  }
0x65: {  	_ =	shalt  }
0x66: {  	_ =	shalt  }
0x67: {  	_ =	shalt  }
0x68: {  	_ =	shalt  }
0x69: {  	_ =	shalt  }
0x6a: {  	_ =	shalt  }
0x6b: {  	_ =	shalt  }
0x6c: {  	_ =	shalt  }
0x6d: {  	_ =	shalt  }
0x6e: {  	_ =	shalt  }
0x6f: {  	_ =	shalt  }
0x70: {  	_ =	shalt  }
0x71: {  	_ =	shalt  }
0x72: {  	_ =	shalt  }
0x73: {  	_ =	shalt  }
0x74: {  	_ =	shalt  }
0x75: {  	_ =	shalt  }
0x76: {  	_ =	shalt  }
0x77: {  	_ =	shalt  }
0x78: {  	_ =	shalt  }
0x79: {  	_ =	shalt  }
0x7a: {  	_ =	shalt  }
0x7b: {  	_ =	shalt  }
0x7c: {  	_ =	shalt  }
0x7d: {  	_ =	shalt  }
0x7e: {  	_ =	shalt  }
0x7f: {  	_ =	shalt  }
0x80: {  	_ =	shalt  }
0x81: {  	_ =	shalt  }
0x82: {  	_ =	shalt  }
0x83: {  	_ =	shalt  }
0x84: {  	_ =	shalt  }
0x85: {  	_ =	shalt  }
0x86: {  	_ =	shalt  }
0x87: {  	_ =	shalt  }
.Lfunc_end0:
.L_simem_size_0:
called_computation_lowered:
.L_overlay_start_0:
0x88: {  	s2 =	sld [smem:$0x3FD9]  }
0x89: {  	s3 =	sld [smem:$0x3FFE];
	_ =	sdelay $0x1  }
0x8a: {  	s1 =	srdreg.scid  }
0x8b: {  	s0 =	sand.u32 $0x1, s1  }
0x8c: {  	s16 =	sshll.u32 s0, $0xA;
	s2 =	sadd.s32 s3, s2  }
0x8d: {  	s2 =	sadd.s32 s2, s16  }
0x8e: {  	[smem:$0x3FB3] =	sst s2  }
0x8f: {  	_ = 	snop  }
0x90: {  	(tm) =	ssettm $0x1  }
0x91: {  	s17 =	sld [smem:$0x3FFB];
	_ =	sdelay $0x3  }
0x92: {  	_ =	strace s17  }
0x93: {  	s2 =	sld [smem:$0x3FFC];
	_ =	sdelay $0x3  }
0x94: {  	_ =	strace s2  }
0x95: {  	s2 =	sld [smem:$0x3FFD];
	_ =	sdelay $0x3  }
0x96: {  	_ =	strace s2  }
0x97: {  	_ =	strace $0x8FFFFFFF  }
0x98: {  	s18 =	sld [smem:$0x3FDB];
	_ =	sdelay $0x1  }
0x99: {  	s19 =	simm.s32 $_scs_section_size  }
0x9a: {  	s4 =	simm.s32 $_size__tile_overlayer_lowered;
	s5 =	simm.s32 $_tile_overlayer_lowered  }
0x9b: {  	s22 =	simm.s32 $0x1BFF;
	s21 =	sshll.u32 s5, $0x1;
	s2 =	sadd.s32 s19, s18  }
0x9c: {  	s6 =	simm.s32 $0x0;
	s20 =	sshll.u32 s4, $0x1;
	s4 =	sadd.s32 s21, s2  }
0x9d: {  	[timem:s6], [sflag:s22] =	dma.local [hbm:s4], s20  }
0x9e: {  	_ =	swait.ge [sflag:s22], s20  }
0x9f: {  	s3 =	ssub.s32 $0x0, s20;
	[sflag:s22] =	ssyncset.done $0x0  }
0xa0: {  	[sflag:s22] =	ssyncadd.s32 s3;
	_ =	sdelay $0x1  }
0xa1: {  	s23 =	simm.s32 $0x1B8B  }
0xa2: {  	_ =	swait.ge [sflag:s23], $0x1  }
0xa3: {  	[sflag:s23] =	ssyncset.done $0x0  }
0xa4: {  	s25 =	simm.s32 $0x1B8E;
	s24 =	sld [smem:$0x3FFE];
	[sflag:s23] =	ssyncadd.s32 $0xFFFFFFFF  }
0xa5: {  	s26 =	simm.s32 $execute0_lowered;
	[smem:$0x3FD2] =	sst s25  }
0xa6: {  	s4 =	sshll.u32 s26, $0x1;
	_ =	strace $0x80000046;
	[dreg:$0x1] =	wrdreg $0xFFFFFFFF  }
0xa7: {  	s28 =	simm.s32 $_size_execute0_lowered;
	s2 =	sadd.s32 s2, s4;
	[dreg:$0x0] =	wrdreg $0x0  }
0xa8: {  	s4 =	sshll.u32 s28, $0x1;
	[dreg:$0x2] =	wrdreg s2  }
0xa9: {  	[dreg:$0x3] =	wrdreg s4  }
0xaa: {  	[dreg:$0x4] =	wrdreg $0xC0  }
0xab: {  	_ =	task [dreg:s6], $0x5FFFF  }
0xac: {  	[dreg:$0x1] =	wrdreg $0xFFFFFFFF  }
0xad: {  	[dreg:$0x0] =	wrdreg $0x60  }
0xae: {  	[dreg:$0x2] =	wrdreg s24  }
0xaf: {  	[dreg:$0x3] =	wrdreg $0x9  }
0xb0: {  	_ =	task.clear_ibuf [dreg:s6], $0x4FFFF;
	_ =	strace $0x90000046  }
0xb1: {  	s29 =	simm.s32 $0x9;
	_ =	strace $0x80000048  }
0xb2: {  	_ =	swait.ge [sflag:s29], $0x1  }
0xb3: {  	[sflag:s29] =	ssyncadd.s32 $0xFFFFFFFF  }
0xb4: {  	_ =	strace $0x90000048  }
0xb5: {  	_ =	sfence  }
0xb6: {  	s30 =	sld [smem:$0x0];
	_ =	sdelay $0x2  }
0xb7: {  	s31 =	sshll.u32 s1, $0xD;
	s1 =	sshrl.u32 s1, $0x2  }
0xb8: {  	s3 =	sand.u32 $0x4000, s31;
	s1 =	sadd.s32 s1, s30  }
0xb9: {  	s0 =	sor.u32 s3, s0;
	s1 =	sshll.u32 s1, $0x11  }
0xba: {  	s0 =	sor.u32 s1, s0  }
0xbb: {  	s0 =	sadd.s32 $0x8F2B, s0  }
0xbc: {  	[sflag:s0] =	ssyncadd.remote.s32 $0x1  }
0xbd: {  	_ =	sfence.sel $0xFFFF  }
0xbe: {  	[dreg:$0x0] =	wrdreg $0xFFFFFFFF;
	(pc) =	sbr.abs _section_cstart, $3  }
0xbf: {  	[dreg:$0x1] =	wrdreg $0xFFFFFFFF  }
0xc0: {  	_ =	task.clear_ibuf [dreg:s6], $0x2FFFF;
	_ =	strace $0x9FFFFFFF  }
0xc1: {  	(tm) =	ssettm $0x7FFFFFFF  }
tec
execute0_lowered:
.L_overlay_start_1:
0x0: {  	(tag) =	ssettag $0x1  }
0x1: {  	s1 =	srdreg.scid;
	s0 =	stileid.u32  }
0x2: {  	s16 =	sand.u32 $0x1, s1;
	s26 =	sshll.u32 s0, $0x1  }
0x3: {  	s8 =	sor.u32 s16, s26  }
0x4: {  	s9 =	rddreg [dreg:$0x0];
	s17 =	smul.u32 $0x1388, s8  }
0x5: {  	s2 =	simm.s32 $0x0;
	s1 =	rddreg [dreg:$0x1]  }
0x6: {  	[smem:$0x7FF] =	sst s2;
	s15 =	sadd.s32 $0x3DE00, s9;
	s3 =	sshrl.u32 s17, $0x3  }
0x7: {  	_ =	strace $0x80000047;
	s4 =	sadd.s32 s15, s3;
	s3 =	simm.s32 $0x2  }
0x8: {  	[tilespmem:s2], [sflag:$0x2] =	stream.linear.gather [hbm4b:s4+s2], $0x3E8, $0x38;
	[tilespmem:$0xFDE8] =	vst v63  }
0x9: {  	_ =	swait.ge [sflag:s3], $0x3E8  }
0xa: {  	s6 =	simm.s32 $0x3E8;
	[sflag:s3] =	ssyncset.done $0x0  }
0xb: {  	s7 =	simm.s32 $0x1;
	s5 =	sadd.s32 $0x3200, s9;
	[sflag:s3] =	ssyncadd.s32 $0xFFFFFC18  }
0xc: {  	[tilespmem:s6], [sflag:$0x1] =	stream.indirect.gather [hbm4b:s5+s6], $0x40, s2, s6, $0xb8;
	[tilespmem:$0xFDE8] =	vst v63  }
0xd: {  	s8 =	smul.u32 $0x9C40, s8;
	_ =	swait.ge [sflag:s7], $0xFA00  }
0xe: {  	s18 =	sadd.s32 $0x42E00, s9;
	[sflag:s7] =	ssyncset.done $0x0  }
0xf: {  	s8 =	sadd.s32 s18, s8;
	[sflag:s7] =	ssyncadd.s32 $0xFFFF0600  }
0x10: {  	[hbm4b:s8+s2] =	stream.linear.scatter [tilespmem:s6], [sflag:$0x2], $0xFA00, $0x38;
	[tilespmem:$0xFDE8] =	vst v63  }
0x11: {  	s10 =	sadd.s32 $0x3E8, s17;
	_ =	swait.ge [sflag:s3], $0xFA00  }
0x12: {  	s28 =	sshrl.u32 s10, $0x3;
	[sflag:s3] =	ssyncset.done $0x0  }
0x13: {  	s9 =	sadd.s32 s15, s28;
	[sflag:s3] =	ssyncadd.s32 $0xFFFF0600  }
0x14: {  	[tilespmem:s2], [sflag:$0x2] =	stream.linear.gather [hbm4b:s9+s2], $0x3E8, $0x38;
	[tilespmem:$0xFDE8] =	vst v63  }
0x15: {  	_ =	swait.ge [sflag:s3], $0x3E8  }
0x16: {  	[sflag:s3] =	ssyncset.done $0x0  }
0x17: {  	[sflag:s3] =	ssyncadd.s32 $0xFFFFFC18  }
0x18: {  	[tilespmem:s6], [sflag:$0x1] =	stream.indirect.gather [hbm4b:s5+s6], $0x40, s2, s6, $0xb8;
	[tilespmem:$0xFDE8] =	vst v63  }
0x19: {  	_ =	swait.ge [sflag:s7], $0xFA00  }
0x1a: {  	s10 =	sshll.u32 s10, $0x3;
	[sflag:s7] =	ssyncset.done $0x0  }
0x1b: {  	s10 =	sadd.s32 s18, s10;
	[sflag:s7] =	ssyncadd.s32 $0xFFFF0600  }
0x1c: {  	[hbm4b:s10+s2] =	stream.linear.scatter [tilespmem:s6], [sflag:$0x2], $0xFA00, $0x38;
	[tilespmem:$0xFDE8] =	vst v63  }
0x1d: {  	s12 =	sadd.s32 $0x7D0, s17;
	_ =	swait.ge [sflag:s3], $0xFA00  }
0x1e: {  	s11 =	sshrl.u32 s12, $0x3;
	[sflag:s3] =	ssyncset.done $0x0  }
0x1f: {  	s11 =	sadd.s32 s15, s11;
	[sflag:s3] =	ssyncadd.s32 $0xFFFF0600  }
0x20: {  	[tilespmem:s2], [sflag:$0x2] =	stream.linear.gather [hbm4b:s11+s2], $0x3E8, $0x38;
	[tilespmem:$0xFDE8] =	vst v63  }
0x21: {  	_ =	swait.ge [sflag:s3], $0x3E8  }
0x22: {  	[sflag:s3] =	ssyncset.done $0x0  }
0x23: {  	[sflag:s3] =	ssyncadd.s32 $0xFFFFFC18  }
0x24: {  	[tilespmem:s6], [sflag:$0x1] =	stream.indirect.gather [hbm4b:s5+s6], $0x40, s2, s6, $0xb8;
	[tilespmem:$0xFDE8] =	vst v63  }
0x25: {  	_ =	swait.ge [sflag:s7], $0xFA00  }
0x26: {  	s12 =	sshll.u32 s12, $0x3;
	[sflag:s7] =	ssyncset.done $0x0  }
0x27: {  	s12 =	sadd.s32 s18, s12;
	[sflag:s7] =	ssyncadd.s32 $0xFFFF0600  }
0x28: {  	[hbm4b:s12+s2] =	stream.linear.scatter [tilespmem:s6], [sflag:$0x2], $0xFA00, $0x38;
	[tilespmem:$0xFDE8] =	vst v63  }
0x29: {  	s14 =	sadd.s32 $0xBB8, s17;
	_ =	swait.ge [sflag:s3], $0xFA00  }
0x2a: {  	s13 =	sshrl.u32 s14, $0x3;
	[sflag:s3] =	ssyncset.done $0x0  }
0x2b: {  	s13 =	sadd.s32 s15, s13;
	[sflag:s3] =	ssyncadd.s32 $0xFFFF0600  }
0x2c: {  	[tilespmem:s2], [sflag:$0x2] =	stream.linear.gather [hbm4b:s13+s2], $0x3E8, $0x38;
	[tilespmem:$0xFDE8] =	vst v63  }
0x2d: {  	_ =	swait.ge [sflag:s3], $0x3E8  }
0x2e: {  	[sflag:s3] =	ssyncset.done $0x0  }
0x2f: {  	[sflag:s3] =	ssyncadd.s32 $0xFFFFFC18  }
0x30: {  	[tilespmem:s6], [sflag:$0x1] =	stream.indirect.gather [hbm4b:s5+s6], $0x40, s2, s6, $0xb8;
	[tilespmem:$0xFDE8] =	vst v63  }
0x31: {  	_ =	swait.ge [sflag:s7], $0xFA00  }
0x32: {  	s14 =	sshll.u32 s14, $0x3;
	[sflag:s7] =	ssyncset.done $0x0  }
0x33: {  	s14 =	sadd.s32 s18, s14;
	[sflag:s7] =	ssyncadd.s32 $0xFFFF0600  }
0x34: {  	[hbm4b:s14+s2] =	stream.linear.scatter [tilespmem:s6], [sflag:$0x2], $0xFA00, $0x38;
	[tilespmem:$0xFDE8] =	vst v63  }
0x35: {  	s17 =	sadd.s32 $0xFA0, s17;
	_ =	swait.ge [sflag:s3], $0xFA00  }
0x36: {  	s19 =	sshrl.u32 s17, $0x3;
	[sflag:s3] =	ssyncset.done $0x0  }
0x37: {  	s16 =	ssub.s32 $0x2, s16;
	s15 =	sadd.s32 s15, s19;
	[sflag:s3] =	ssyncadd.s32 $0xFFFF0600  }
0x38: {  	[tilespmem:s2], [sflag:$0x2] =	stream.linear.gather [hbm4b:s15+s2], $0x3E8, $0x38;
	[tilespmem:$0xFDE8] =	vst v63  }
0x39: {  	s29 =	sshrl.u32 s16, $0x1;
	_ =	swait.ge [sflag:s3], $0x3E8  }
0x3a: {  	s19 =	ssub.s32 s16, s29;
	[sflag:s3] =	ssyncset.done $0x0  }
0x3b: {  	s31 =	smax.u32 s19, $0x1;
	[sflag:s3] =	ssyncadd.s32 $0xFFFFFC18  }
0x3c: {  	[tilespmem:s6], [sflag:$0x1] =	stream.indirect.gather [hbm4b:s5+s6], $0x40, s2, s6, $0xb8;
	[tilespmem:$0xFDE8] =	vst v63  }
0x3d: {  	p0 =	sne.s32 s31, $0x1;
	_ =	swait.ge [sflag:s7], $0xFA00  }
.Ltmp0:
0x3e: {  	s30 =	sshll.u32 s17, $0x3;
	[sflag:s7] =	ssyncset.done $0x0;
	(pc) =	sbr.rel @!p0 .LBB2_2-.Ltmp0, $4  }
0x3f: {  	s16 =	sadd.s32 s18, s30;
	[sflag:s7] =	ssyncadd.s32 $0xFFFF0600  }
0x40: {  	[hbm4b:s16+s2] =	stream.linear.scatter [tilespmem:s6], [sflag:$0x2], $0xFA00, $0x38;
	[tilespmem:$0xFDE8] =	vst v63  }
0x41: {  	_ =	swait.ge [sflag:s3], $0xFA00  }
0x42: {  	s17 =	sadd.s32 $0xFFFFFFFF, s31;
	[sflag:s3] =	ssyncset.done $0x0  }
.LBB2_1:
0x43: {  	p0 =	sne.s32 s17, $0x1;
	s17 =	sadd.s32 $0xFFFFFFFF, s17;
	[sflag:s3] =	ssyncadd.s32 $0xFFFF0600  }
0x44: {  	[tilespmem:s2], [sflag:$0x2] =	stream.linear.gather [hbm4b:s4+s2], $0x3E8, $0x38;
	[tilespmem:$0xFDE8] =	vst v63  }
0x45: {  	_ =	swait.ge [sflag:s3], $0x3E8  }
0x46: {  	[sflag:s3] =	ssyncset.done $0x0  }
0x47: {  	[sflag:s3] =	ssyncadd.s32 $0xFFFFFC18  }
0x48: {  	[tilespmem:s6], [sflag:$0x1] =	stream.indirect.gather [hbm4b:s5+s6], $0x40, s2, s6, $0xb8;
	[tilespmem:$0xFDE8] =	vst v63  }
0x49: {  	_ =	swait.ge [sflag:s7], $0xFA00  }
0x4a: {  	[sflag:s7] =	ssyncset.done $0x0  }
0x4b: {  	[sflag:s7] =	ssyncadd.s32 $0xFFFF0600  }
0x4c: {  	[hbm4b:s8+s2] =	stream.linear.scatter [tilespmem:s6], [sflag:$0x2], $0xFA00, $0x38;
	[tilespmem:$0xFDE8] =	vst v63  }
0x4d: {  	_ =	swait.ge [sflag:s3], $0xFA00  }
0x4e: {  	[sflag:s3] =	ssyncset.done $0x0  }
0x4f: {  	[sflag:s3] =	ssyncadd.s32 $0xFFFF0600  }
0x50: {  	[tilespmem:s2], [sflag:$0x2] =	stream.linear.gather [hbm4b:s9+s2], $0x3E8, $0x38;
	[tilespmem:$0xFDE8] =	vst v63  }
0x51: {  	_ =	swait.ge [sflag:s3], $0x3E8  }
0x52: {  	[sflag:s3] =	ssyncset.done $0x0  }
0x53: {  	[sflag:s3] =	ssyncadd.s32 $0xFFFFFC18  }
0x54: {  	[tilespmem:s6], [sflag:$0x1] =	stream.indirect.gather [hbm4b:s5+s6], $0x40, s2, s6, $0xb8;
	[tilespmem:$0xFDE8] =	vst v63  }
0x55: {  	_ =	swait.ge [sflag:s7], $0xFA00  }
0x56: {  	[sflag:s7] =	ssyncset.done $0x0  }
0x57: {  	[sflag:s7] =	ssyncadd.s32 $0xFFFF0600  }
0x58: {  	[hbm4b:s10+s2] =	stream.linear.scatter [tilespmem:s6], [sflag:$0x2], $0xFA00, $0x38;
	[tilespmem:$0xFDE8] =	vst v63  }
0x59: {  	_ =	swait.ge [sflag:s3], $0xFA00  }
0x5a: {  	[sflag:s3] =	ssyncset.done $0x0  }
0x5b: {  	[sflag:s3] =	ssyncadd.s32 $0xFFFF0600  }
0x5c: {  	[tilespmem:s2], [sflag:$0x2] =	stream.linear.gather [hbm4b:s11+s2], $0x3E8, $0x38;
	[tilespmem:$0xFDE8] =	vst v63  }
0x5d: {  	_ =	swait.ge [sflag:s3], $0x3E8  }
0x5e: {  	[sflag:s3] =	ssyncset.done $0x0  }
0x5f: {  	[sflag:s3] =	ssyncadd.s32 $0xFFFFFC18  }
0x60: {  	[tilespmem:s6], [sflag:$0x1] =	stream.indirect.gather [hbm4b:s5+s6], $0x40, s2, s6, $0xb8;
	[tilespmem:$0xFDE8] =	vst v63  }
0x61: {  	_ =	swait.ge [sflag:s7], $0xFA00  }
0x62: {  	[sflag:s7] =	ssyncset.done $0x0  }
0x63: {  	[sflag:s7] =	ssyncadd.s32 $0xFFFF0600  }
0x64: {  	[hbm4b:s12+s2] =	stream.linear.scatter [tilespmem:s6], [sflag:$0x2], $0xFA00, $0x38;
	[tilespmem:$0xFDE8] =	vst v63  }
0x65: {  	_ =	swait.ge [sflag:s3], $0xFA00  }
0x66: {  	[sflag:s3] =	ssyncset.done $0x0  }
0x67: {  	[sflag:s3] =	ssyncadd.s32 $0xFFFF0600  }
0x68: {  	[tilespmem:s2], [sflag:$0x2] =	stream.linear.gather [hbm4b:s13+s2], $0x3E8, $0x38;
	[tilespmem:$0xFDE8] =	vst v63  }
0x69: {  	_ =	swait.ge [sflag:s3], $0x3E8  }
0x6a: {  	[sflag:s3] =	ssyncset.done $0x0  }
0x6b: {  	[sflag:s3] =	ssyncadd.s32 $0xFFFFFC18  }
0x6c: {  	[tilespmem:s6], [sflag:$0x1] =	stream.indirect.gather [hbm4b:s5+s6], $0x40, s2, s6, $0xb8;
	[tilespmem:$0xFDE8] =	vst v63  }
0x6d: {  	_ =	swait.ge [sflag:s7], $0xFA00  }
0x6e: {  	[sflag:s7] =	ssyncset.done $0x0  }
0x6f: {  	[sflag:s7] =	ssyncadd.s32 $0xFFFF0600  }
0x70: {  	[hbm4b:s14+s2] =	stream.linear.scatter [tilespmem:s6], [sflag:$0x2], $0xFA00, $0x38;
	[tilespmem:$0xFDE8] =	vst v63  }
0x71: {  	_ =	swait.ge [sflag:s3], $0xFA00  }
0x72: {  	[sflag:s3] =	ssyncset.done $0x0  }
0x73: {  	[sflag:s3] =	ssyncadd.s32 $0xFFFF0600  }
0x74: {  	[tilespmem:s2], [sflag:$0x2] =	stream.linear.gather [hbm4b:s15+s2], $0x3E8, $0x38;
	[tilespmem:$0xFDE8] =	vst v63  }
0x75: {  	_ =	swait.ge [sflag:s3], $0x3E8  }
0x76: {  	[sflag:s3] =	ssyncset.done $0x0  }
0x77: {  	[sflag:s3] =	ssyncadd.s32 $0xFFFFFC18  }
0x78: {  	[tilespmem:s6], [sflag:$0x1] =	stream.indirect.gather [hbm4b:s5+s6], $0x40, s2, s6, $0xb8;
	[tilespmem:$0xFDE8] =	vst v63  }
0x79: {  	_ =	swait.ge [sflag:s7], $0xFA00  }
.Ltmp1:
0x7a: {  	[sflag:s7] =	ssyncset.done $0x0;
	(pc) =	sbr.rel @p0 .LBB2_1-.Ltmp1, $4  }
0x7b: {  	[sflag:s7] =	ssyncadd.s32 $0xFFFF0600  }
0x7c: {  	[hbm4b:s16+s2] =	stream.linear.scatter [tilespmem:s6], [sflag:$0x2], $0xFA00, $0x38;
	[tilespmem:$0xFDE8] =	vst v63  }
0x7d: {  	_ =	swait.ge [sflag:s3], $0xFA00  }
0x7e: {  	[sflag:s3] =	ssyncset.done $0x0  }
.LBB2_2:
0x7f: {  	[sflag:s3] =	ssyncadd.s32 $0xFFFF0600  }
0x80: {  	_ =	sfence.sel $0x180000  }
0x81: {  	[bflag:$0x0] =	sbarrier.arrive $0xFFFF  }
0x82: {  	p0 =	sne.s32 s0, $0x0;
	_ =	strace $0x90000047  }
0x83: {  	s0 =	sadd.s32 @!p0 $0x100000, s1;
	[bflag:$0x2] =	sbarrier.arrive $0xFFFF  }
0x84: {  	[sflag:s0] =	ssyncadd.tile.s32 @!p0 $0x1;
	_ =	shalt  }
.Lfunc_end2:
_tile_overlayer_lowered:
.L_overlay_start_2:
0x85: {  	(tag) =	ssettag $0x2  }
0x86: {  	s0 =	rddreg [dreg:$0x0];
	s2 =	stileid.u32  }
0x87: {  	s1 =	rddreg [dreg:$0x1];
	p0 =	sne.s32 s2, $0x0  }
0x88: {  	s3 =	rddreg [dreg:$0x2];
	[bflag:$0x3] =	sbarrier.arrive $0xFFFF;
	s2 =	simm.s32 @!p0 $0x1C02  }
0x89: {  	[timem:s3], [sflag:s2] =	dma.local @!p0 [hbm:s0], s1  }
0x8a: {  	s0 =	simm.s32 @!p0 $0x2  }
0x8b: {  	_ =	swait.ge @!p0 [sflag:s0], s1  }
0x8c: {  	s1 =	ssub.s32 @!p0 $0x0, s1;
	[sflag:s0] =	ssyncset.done @!p0 $0x0  }
0x8d: {  	[sflag:s0] =	ssyncadd.s32 @!p0 s1  }
0x8e: {  	[bflag:$0x3] =	sbarrier.arrive $0xFFFF  }
0x8f: {  	_ =	shalt  }

// kernel: kernel.15.cloned.1.call-start
scs
__scs_entry_jumppad:
0x0: {  	(pc) =	sbr.rel $0x88, $3  }
0x1: {  	(tag) =	ssettag $0x0;
	lr =	simm.s32 $0x1  }
0x2: {  	[smem:$0x3F8C] =	sst lr;
	_ =	strace $0xD0000000  }
0x3: {  	_ = 	snop  }
0x4: {  	_ = 	snop  }
0x5: {  	_ = 	snop  }
0x6: {  	_ = 	snop  }
0x7: {  	_ = 	snop  }
__scs_overlays_trampoline_lowered:
0x8: {  	[smem:$0x3F9B] =	sst s0  }
0x9: {  	[smem:$0x3F9C] =	sst s1  }
0xa: {  	[smem:$0x3F9D] =	sst s2  }
0xb: {  	[smem:$0x3F9E] =	sst s3  }
0xc: {  	[smem:$0x3F9F] =	sst s4  }
0xd: {  	[smem:$0x3FA0] =	sst s5  }
0xe: {  	[smem:$0x3FA1] =	sst s6  }
0xf: {  	[smem:$0x3FA2] =	sst s7  }
0x10: {  	[smem:$0x3FA3] =	sst s8  }
0x11: {  	[smem:$0x3FA4] =	sst s9;
	s0 =	simm.s32 @!p0 $0x0  }
0x12: {  	s1 =	sld [smem:$0x3F8A];
	s0 =	simm.s32 @p0 $0x1  }
0x13: {  	[smem:$0x3FA5] =	sst s0;
	s0 =	simm.s32 @!p1 $0x0  }
0x14: {  	s2 =	sld [smem:$0x3F89];
	s0 =	simm.s32 @p1 $0x1  }
0x15: {  	[smem:$0x3FA6] =	sst s0;
	s0 =	simm.s32 @!p2 $0x0  }
0x16: {  	s3 =	sld [smem:$0x3FDB];
	s0 =	simm.s32 @p2 $0x1  }
0x17: {  	s4 =	simm.s32 $0x1BF5;
	[smem:$0x3FA8] =	sst s0  }
0x18: {  	s0 =	sld [smem:$0x3F8B];
	_ =	swait.ge [sflag:s4], $0x0  }
0x19: {  	s7 =	sld [smem:$0x3F8C]  }
0x1a: {  	s8 =	sadd.s32 $0xFFFFE003, lr  }
0x1b: {  	s9 =	sadd.s32 $0xFFFFFEF7, lr;
	s5 =	simm.s32 $0xFFFFFFFF;
	p2 =	slt.u32 s8, $0xFFFFF086  }
0x1c: {  	p1 =	slt.u32 s9, $0xF7A;
	s5 =	simm.s32 @!p2 $0x0  }
0x1d: {  	s5 =	simm.s32 @p1 $0x1;
	p0 =	seq.s32 s7, s2  }
0x1e: {  	s7 =	smul.u32 @!p0 $0xF7A, s2;
	p2 =	seq.s32 @!p0 s5, $0x0  }
0x1f: {  	s9 =	smul.u32 $0xF7A, s1;
	s8 =	simm.s32 @!p0 $0x1BF5;
	p2 =	por !p2, p0  }
0x20: {  	[sflag:s8] =	ssyncset.s32 @!p0 $0xFFFFF086;
	s6 =	sadd.s32 @!p0 s3, s7;
	s7 =	simm.s32 @!p0 $0x108  }
0x21: {  	s3 =	sadd.s32 s3, s9;
	s6 =	sadd.s32 @!p0 $0x88, s6;
	s7 =	simm.s32 @p2 $0x1082  }
0x22: {  	[simem:s7], [sflag:s8] =	dma.local @!p0 [hbm:s6], $0xF7A  }
0x23: {  	s9 =	sor.u32 $0xD0000000, s2;
	s6 =	simm.s32 $0x108;
	_ =	swait.ge @!p0 [sflag:s8], $0x0  }
0x24: {  	s3 =	sadd.s32 $0x88, s3;
	s6 =	simm.s32 @!p1 $0x1082;
	[sflag:s4] =	ssyncset.s32 $0xFFFFF086  }
0x25: {  	[simem:s6], [sflag:s4] =	dma.local [hbm:s3], $0xF7A  }
0x26: {  	[smem:$0x3F8C] =	sst s1;
	(tag) =	ssettag s2;
	_ =	strace s9  }
0x27: {  	s1 =	sld [smem:$0x3F9C]  }
0x28: {  	s2 =	sld [smem:$0x3F9D]  }
0x29: {  	s4 =	sld [smem:$0x3F9F]  }
0x2a: {  	p0 =	seq.s32 s5, $0x0;
	s5 =	sld [smem:$0x3FA0]  }
0x2b: {  	s6 =	sld [smem:$0x3FA1]  }
0x2c: {  	s7 =	sld [smem:$0x3FA2]  }
0x2d: {  	s3 =	simm.s32 $0x108;
	s8 =	sld [smem:$0x3FA3]  }
0x2e: {  	s3 =	simm.s32 @!p0 $0x1082;
	s9 =	sld [smem:$0x3FA4]  }
0x2f: {  	lr =	sadd.s32 s0, s3;
	s0 =	sld [smem:$0x3F9B]  }
0x30: {  	s3 =	sld [smem:$0x3F9E]  }
0x31: {  	[smem:$0x3FA7] =	sst s10  }
0x32: {  	s10 =	sld [smem:$0x3FA5];
	_ =	sdelay $0x3  }
0x33: {  	p0 =	seq.s32 s10, $0x1;
	s10 =	sld [smem:$0x3FA7];
	_ =	sdelay $0x3  }
0x34: {  	[smem:$0x3FA7] =	sst s10  }
0x35: {  	s10 =	sld [smem:$0x3FA6];
	_ =	sdelay $0x3  }
0x36: {  	p1 =	seq.s32 s10, $0x1;
	s10 =	sld [smem:$0x3FA7];
	_ =	sdelay $0x3  }
0x37: {  	[smem:$0x3FA7] =	sst s10  }
0x38: {  	s10 =	sld [smem:$0x3FA8]  }
0x39: {  	_ = 	snop;
	(pc) =	sbr.ind lr, $3  }
0x3a: {  	_ = 	snop  }
0x3b: {  	_ = 	snop  }
0x3c: {  	p2 =	seq.s32 s10, $0x1;
	s10 =	sld [smem:$0x3FA7]  }
0x3d: {  	_ =	shalt  }
0x3e: {  	_ =	shalt  }
0x3f: {  	_ =	shalt  }
0x40: {  	_ =	shalt  }
0x41: {  	_ =	shalt  }
0x42: {  	_ =	shalt  }
0x43: {  	_ =	shalt  }
0x44: {  	_ =	shalt  }
0x45: {  	_ =	shalt  }
0x46: {  	_ =	shalt  }
0x47: {  	_ =	shalt  }
0x48: {  	_ =	shalt  }
0x49: {  	_ =	shalt  }
0x4a: {  	_ =	shalt  }
0x4b: {  	_ =	shalt  }
0x4c: {  	_ =	shalt  }
0x4d: {  	_ =	shalt  }
0x4e: {  	_ =	shalt  }
0x4f: {  	_ =	shalt  }
0x50: {  	_ =	shalt  }
0x51: {  	_ =	shalt  }
0x52: {  	_ =	shalt  }
0x53: {  	_ =	shalt  }
0x54: {  	_ =	shalt  }
0x55: {  	_ =	shalt  }
0x56: {  	_ =	shalt  }
0x57: {  	_ =	shalt  }
0x58: {  	_ =	shalt  }
0x59: {  	_ =	shalt  }
0x5a: {  	_ =	shalt  }
0x5b: {  	_ =	shalt  }
0x5c: {  	_ =	shalt  }
0x5d: {  	_ =	shalt  }
0x5e: {  	_ =	shalt  }
0x5f: {  	_ =	shalt  }
0x60: {  	_ =	shalt  }
0x61: {  	_ =	shalt  }
0x62: {  	_ =	shalt  }
0x63: {  	_ =	shalt  }
0x64: {  	_ =	shalt  }
0x65: {  	_ =	shalt  }
0x66: {  	_ =	shalt  }
0x67: {  	_ =	shalt  }
0x68: {  	_ =	shalt  }
0x69: {  	_ =	shalt  }
0x6a: {  	_ =	shalt  }
0x6b: {  	_ =	shalt  }
0x6c: {  	_ =	shalt  }
0x6d: {  	_ =	shalt  }
0x6e: {  	_ =	shalt  }
0x6f: {  	_ =	shalt  }
0x70: {  	_ =	shalt  }
0x71: {  	_ =	shalt  }
0x72: {  	_ =	shalt  }
0x73: {  	_ =	shalt  }
0x74: {  	_ =	shalt  }
0x75: {  	_ =	shalt  }
0x76: {  	_ =	shalt  }
0x77: {  	_ =	shalt  }
0x78: {  	_ =	shalt  }
0x79: {  	_ =	shalt  }
0x7a: {  	_ =	shalt  }
0x7b: {  	_ =	shalt  }
0x7c: {  	_ =	shalt  }
0x7d: {  	_ =	shalt  }
0x7e: {  	_ =	shalt  }
0x7f: {  	_ =	shalt  }
0x80: {  	_ =	shalt  }
0x81: {  	_ =	shalt  }
0x82: {  	_ =	shalt  }
0x83: {  	_ =	shalt  }
0x84: {  	_ =	shalt  }
0x85: {  	_ =	shalt  }
0x86: {  	_ =	shalt  }
0x87: {  	_ =	shalt  }
.Lfunc_end0:
.L_simem_size_0:
called_computation.1_lowered:
.L_overlay_start_0:
0x88: {  	s2 =	sld [smem:$0x3FD9]  }
0x89: {  	s3 =	sld [smem:$0x3FFE];
	_ =	sdelay $0x1  }
0x8a: {  	s1 =	srdreg.scid  }
0x8b: {  	s0 =	sand.u32 $0x1, s1  }
0x8c: {  	s16 =	sshll.u32 s0, $0xA;
	s2 =	sadd.s32 s3, s2  }
0x8d: {  	s2 =	sadd.s32 s2, s16  }
0x8e: {  	[smem:$0x3FB3] =	sst s2  }
0x8f: {  	_ = 	snop  }
0x90: {  	(tm) =	ssettm $0x1  }
0x91: {  	s17 =	sld [smem:$0x3FFB];
	_ =	sdelay $0x3  }
0x92: {  	_ =	strace s17  }
0x93: {  	s2 =	sld [smem:$0x3FFC];
	_ =	sdelay $0x3  }
0x94: {  	_ =	strace s2  }
0x95: {  	s2 =	sld [smem:$0x3FFD];
	_ =	sdelay $0x3  }
0x96: {  	_ =	strace s2  }
0x97: {  	_ =	strace $0x8FFFFFFF  }
0x98: {  	s18 =	sld [smem:$0x3FDB];
	_ =	sdelay $0x1  }
0x99: {  	s19 =	simm.s32 $_scs_section_size  }
0x9a: {  	s4 =	simm.s32 $_size__tile_overlayer_lowered;
	s5 =	simm.s32 $_tile_overlayer_lowered  }
0x9b: {  	s22 =	simm.s32 $0x1BFF;
	s21 =	sshll.u32 s5, $0x1;
	s2 =	sadd.s32 s19, s18  }
0x9c: {  	s6 =	simm.s32 $0x0;
	s20 =	sshll.u32 s4, $0x1;
	s4 =	sadd.s32 s21, s2  }
0x9d: {  	[timem:s6], [sflag:s22] =	dma.local [hbm:s4], s20  }
0x9e: {  	_ =	swait.ge [sflag:s22], s20  }
0x9f: {  	s3 =	ssub.s32 $0x0, s20;
	[sflag:s22] =	ssyncset.done $0x0  }
0xa0: {  	[sflag:s22] =	ssyncadd.s32 s3;
	_ =	sdelay $0x1  }
0xa1: {  	s23 =	simm.s32 $0x1B8B  }
0xa2: {  	_ =	swait.ge [sflag:s23], $0x1  }
0xa3: {  	[sflag:s23] =	ssyncset.done $0x0  }
0xa4: {  	s25 =	simm.s32 $0x1B8E;
	s24 =	sld [smem:$0x3FFE];
	[sflag:s23] =	ssyncadd.s32 $0xFFFFFFFF  }
0xa5: {  	s26 =	simm.s32 $execute0_lowered;
	[smem:$0x3FD2] =	sst s25  }
0xa6: {  	s4 =	sshll.u32 s26, $0x1;
	_ =	strace $0x80000049;
	[dreg:$0x1] =	wrdreg $0xFFFFFFFF  }
0xa7: {  	s28 =	simm.s32 $_size_execute0_lowered;
	s2 =	sadd.s32 s2, s4;
	[dreg:$0x0] =	wrdreg $0x0  }
0xa8: {  	s4 =	sshll.u32 s28, $0x1;
	[dreg:$0x2] =	wrdreg s2  }
0xa9: {  	[dreg:$0x3] =	wrdreg s4  }
0xaa: {  	[dreg:$0x4] =	wrdreg $0xC0  }
0xab: {  	_ =	task [dreg:s6], $0x5FFFF  }
0xac: {  	[dreg:$0x1] =	wrdreg $0xFFFFFFFF  }
0xad: {  	[dreg:$0x0] =	wrdreg $0x60  }
0xae: {  	[dreg:$0x2] =	wrdreg s24  }
0xaf: {  	[dreg:$0x3] =	wrdreg $0x9  }
0xb0: {  	_ =	task.clear_ibuf [dreg:s6], $0x4FFFF;
	_ =	strace $0x90000049  }
0xb1: {  	s29 =	simm.s32 $0x9;
	_ =	strace $0x8000004B  }
0xb2: {  	_ =	swait.ge [sflag:s29], $0x1  }
0xb3: {  	[sflag:s29] =	ssyncadd.s32 $0xFFFFFFFF  }
0xb4: {  	_ =	strace $0x9000004B  }
0xb5: {  	_ =	sfence  }
0xb6: {  	s30 =	sld [smem:$0x0];
	_ =	sdelay $0x2  }
0xb7: {  	s31 =	sshll.u32 s1, $0xD;
	s1 =	sshrl.u32 s1, $0x2  }
0xb8: {  	s3 =	sand.u32 $0x4000, s31;
	s1 =	sadd.s32 s1, s30  }
0xb9: {  	s0 =	sor.u32 s3, s0;
	s1 =	sshll.u32 s1, $0x11  }
0xba: {  	s0 =	sor.u32 s1, s0  }
0xbb: {  	s0 =	sadd.s32 $0x8F2B, s0  }
0xbc: {  	[sflag:s0] =	ssyncadd.remote.s32 $0x1  }
0xbd: {  	_ =	sfence.sel $0xFFFF  }
0xbe: {  	[dreg:$0x0] =	wrdreg $0xFFFFFFFF;
	(pc) =	sbr.abs _section_cstart, $3  }
0xbf: {  	[dreg:$0x1] =	wrdreg $0xFFFFFFFF  }
0xc0: {  	_ =	task.clear_ibuf [dreg:s6], $0x2FFFF;
	_ =	strace $0x9FFFFFFF  }
0xc1: {  	(tm) =	ssettm $0x7FFFFFFF  }
tec
execute0_lowered:
.L_overlay_start_1:
0x0: {  	(tag) =	ssettag $0x1  }
0x1: {  	s1 =	srdreg.scid;
	s0 =	stileid.u32  }
0x2: {  	s16 =	sand.u32 $0x1, s1;
	s26 =	sshll.u32 s0, $0x1  }
0x3: {  	s8 =	sor.u32 s16, s26  }
0x4: {  	s9 =	rddreg [dreg:$0x0];
	s17 =	smul.u32 $0x1388, s8  }
0x5: {  	s2 =	simm.s32 $0x0;
	s1 =	rddreg [dreg:$0x1]  }
0x6: {  	[smem:$0x7FF] =	sst s2;
	s15 =	sadd.s32 $0x16C00, s9;
	s3 =	sshrl.u32 s17, $0x3  }
0x7: {  	_ =	strace $0x8000004A;
	s4 =	sadd.s32 s15, s3;
	s3 =	simm.s32 $0x2  }
0x8: {  	[tilespmem:s2], [sflag:$0x2] =	stream.linear.gather [hbm4b:s4+s2], $0x3E8, $0x38;
	[tilespmem:$0xFDE8] =	vst v63  }
0x9: {  	_ =	swait.ge [sflag:s3], $0x3E8  }
0xa: {  	s6 =	simm.s32 $0x3E8;
	[sflag:s3] =	ssyncset.done $0x0  }
0xb: {  	s7 =	simm.s32 $0x1;
	s5 =	sadd.s32 $0x3200, s9;
	[sflag:s3] =	ssyncadd.s32 $0xFFFFFC18  }
0xc: {  	[tilespmem:s6], [sflag:$0x1] =	stream.indirect.gather [hbm4b:s5+s6], $0x40, s2, s6, $0xb8;
	[tilespmem:$0xFDE8] =	vst v63  }
0xd: {  	s8 =	smul.u32 $0x9C40, s8;
	_ =	swait.ge [sflag:s7], $0xFA00  }
0xe: {  	s18 =	sadd.s32 $0x1BC00, s9;
	[sflag:s7] =	ssyncset.done $0x0  }
0xf: {  	s8 =	sadd.s32 s18, s8;
	[sflag:s7] =	ssyncadd.s32 $0xFFFF0600  }
0x10: {  	[hbm4b:s8+s2] =	stream.linear.scatter [tilespmem:s6], [sflag:$0x2], $0xFA00, $0x38;
	[tilespmem:$0xFDE8] =	vst v63  }
0x11: {  	s10 =	sadd.s32 $0x3E8, s17;
	_ =	swait.ge [sflag:s3], $0xFA00  }
0x12: {  	s28 =	sshrl.u32 s10, $0x3;
	[sflag:s3] =	ssyncset.done $0x0  }
0x13: {  	s9 =	sadd.s32 s15, s28;
	[sflag:s3] =	ssyncadd.s32 $0xFFFF0600  }
0x14: {  	[tilespmem:s2], [sflag:$0x2] =	stream.linear.gather [hbm4b:s9+s2], $0x3E8, $0x38;
	[tilespmem:$0xFDE8] =	vst v63  }
0x15: {  	_ =	swait.ge [sflag:s3], $0x3E8  }
0x16: {  	[sflag:s3] =	ssyncset.done $0x0  }
0x17: {  	[sflag:s3] =	ssyncadd.s32 $0xFFFFFC18  }
0x18: {  	[tilespmem:s6], [sflag:$0x1] =	stream.indirect.gather [hbm4b:s5+s6], $0x40, s2, s6, $0xb8;
	[tilespmem:$0xFDE8] =	vst v63  }
0x19: {  	_ =	swait.ge [sflag:s7], $0xFA00  }
0x1a: {  	s10 =	sshll.u32 s10, $0x3;
	[sflag:s7] =	ssyncset.done $0x0  }
0x1b: {  	s10 =	sadd.s32 s18, s10;
	[sflag:s7] =	ssyncadd.s32 $0xFFFF0600  }
0x1c: {  	[hbm4b:s10+s2] =	stream.linear.scatter [tilespmem:s6], [sflag:$0x2], $0xFA00, $0x38;
	[tilespmem:$0xFDE8] =	vst v63  }
0x1d: {  	s12 =	sadd.s32 $0x7D0, s17;
	_ =	swait.ge [sflag:s3], $0xFA00  }
0x1e: {  	s11 =	sshrl.u32 s12, $0x3;
	[sflag:s3] =	ssyncset.done $0x0  }
0x1f: {  	s11 =	sadd.s32 s15, s11;
	[sflag:s3] =	ssyncadd.s32 $0xFFFF0600  }
0x20: {  	[tilespmem:s2], [sflag:$0x2] =	stream.linear.gather [hbm4b:s11+s2], $0x3E8, $0x38;
	[tilespmem:$0xFDE8] =	vst v63  }
0x21: {  	_ =	swait.ge [sflag:s3], $0x3E8  }
0x22: {  	[sflag:s3] =	ssyncset.done $0x0  }
0x23: {  	[sflag:s3] =	ssyncadd.s32 $0xFFFFFC18  }
0x24: {  	[tilespmem:s6], [sflag:$0x1] =	stream.indirect.gather [hbm4b:s5+s6], $0x40, s2, s6, $0xb8;
	[tilespmem:$0xFDE8] =	vst v63  }
0x25: {  	_ =	swait.ge [sflag:s7], $0xFA00  }
0x26: {  	s12 =	sshll.u32 s12, $0x3;
	[sflag:s7] =	ssyncset.done $0x0  }
0x27: {  	s12 =	sadd.s32 s18, s12;
	[sflag:s7] =	ssyncadd.s32 $0xFFFF0600  }
0x28: {  	[hbm4b:s12+s2] =	stream.linear.scatter [tilespmem:s6], [sflag:$0x2], $0xFA00, $0x38;
	[tilespmem:$0xFDE8] =	vst v63  }
0x29: {  	s14 =	sadd.s32 $0xBB8, s17;
	_ =	swait.ge [sflag:s3], $0xFA00  }
0x2a: {  	s13 =	sshrl.u32 s14, $0x3;
	[sflag:s3] =	ssyncset.done $0x0  }
0x2b: {  	s13 =	sadd.s32 s15, s13;
	[sflag:s3] =	ssyncadd.s32 $0xFFFF0600  }
0x2c: {  	[tilespmem:s2], [sflag:$0x2] =	stream.linear.gather [hbm4b:s13+s2], $0x3E8, $0x38;
	[tilespmem:$0xFDE8] =	vst v63  }
0x2d: {  	_ =	swait.ge [sflag:s3], $0x3E8  }
0x2e: {  	[sflag:s3] =	ssyncset.done $0x0  }
0x2f: {  	[sflag:s3] =	ssyncadd.s32 $0xFFFFFC18  }
0x30: {  	[tilespmem:s6], [sflag:$0x1] =	stream.indirect.gather [hbm4b:s5+s6], $0x40, s2, s6, $0xb8;
	[tilespmem:$0xFDE8] =	vst v63  }
0x31: {  	_ =	swait.ge [sflag:s7], $0xFA00  }
0x32: {  	s14 =	sshll.u32 s14, $0x3;
	[sflag:s7] =	ssyncset.done $0x0  }
0x33: {  	s14 =	sadd.s32 s18, s14;
	[sflag:s7] =	ssyncadd.s32 $0xFFFF0600  }
0x34: {  	[hbm4b:s14+s2] =	stream.linear.scatter [tilespmem:s6], [sflag:$0x2], $0xFA00, $0x38;
	[tilespmem:$0xFDE8] =	vst v63  }
0x35: {  	s17 =	sadd.s32 $0xFA0, s17;
	_ =	swait.ge [sflag:s3], $0xFA00  }
0x36: {  	s19 =	sshrl.u32 s17, $0x3;
	[sflag:s3] =	ssyncset.done $0x0  }
0x37: {  	s16 =	ssub.s32 $0x2, s16;
	s15 =	sadd.s32 s15, s19;
	[sflag:s3] =	ssyncadd.s32 $0xFFFF0600  }
0x38: {  	[tilespmem:s2], [sflag:$0x2] =	stream.linear.gather [hbm4b:s15+s2], $0x3E8, $0x38;
	[tilespmem:$0xFDE8] =	vst v63  }
0x39: {  	s29 =	sshrl.u32 s16, $0x1;
	_ =	swait.ge [sflag:s3], $0x3E8  }
0x3a: {  	s19 =	ssub.s32 s16, s29;
	[sflag:s3] =	ssyncset.done $0x0  }
0x3b: {  	s31 =	smax.u32 s19, $0x1;
	[sflag:s3] =	ssyncadd.s32 $0xFFFFFC18  }
0x3c: {  	[tilespmem:s6], [sflag:$0x1] =	stream.indirect.gather [hbm4b:s5+s6], $0x40, s2, s6, $0xb8;
	[tilespmem:$0xFDE8] =	vst v63  }
0x3d: {  	p0 =	sne.s32 s31, $0x1;
	_ =	swait.ge [sflag:s7], $0xFA00  }
.Ltmp0:
0x3e: {  	s30 =	sshll.u32 s17, $0x3;
	[sflag:s7] =	ssyncset.done $0x0;
	(pc) =	sbr.rel @!p0 .LBB2_2-.Ltmp0, $4  }
0x3f: {  	s16 =	sadd.s32 s18, s30;
	[sflag:s7] =	ssyncadd.s32 $0xFFFF0600  }
0x40: {  	[hbm4b:s16+s2] =	stream.linear.scatter [tilespmem:s6], [sflag:$0x2], $0xFA00, $0x38;
	[tilespmem:$0xFDE8] =	vst v63  }
0x41: {  	_ =	swait.ge [sflag:s3], $0xFA00  }
0x42: {  	s17 =	sadd.s32 $0xFFFFFFFF, s31;
	[sflag:s3] =	ssyncset.done $0x0  }
.LBB2_1:
0x43: {  	p0 =	sne.s32 s17, $0x1;
	s17 =	sadd.s32 $0xFFFFFFFF, s17;
	[sflag:s3] =	ssyncadd.s32 $0xFFFF0600  }
0x44: {  	[tilespmem:s2], [sflag:$0x2] =	stream.linear.gather [hbm4b:s4+s2], $0x3E8, $0x38;
	[tilespmem:$0xFDE8] =	vst v63  }
0x45: {  	_ =	swait.ge [sflag:s3], $0x3E8  }
0x46: {  	[sflag:s3] =	ssyncset.done $0x0  }
0x47: {  	[sflag:s3] =	ssyncadd.s32 $0xFFFFFC18  }
0x48: {  	[tilespmem:s6], [sflag:$0x1] =	stream.indirect.gather [hbm4b:s5+s6], $0x40, s2, s6, $0xb8;
	[tilespmem:$0xFDE8] =	vst v63  }
0x49: {  	_ =	swait.ge [sflag:s7], $0xFA00  }
0x4a: {  	[sflag:s7] =	ssyncset.done $0x0  }
0x4b: {  	[sflag:s7] =	ssyncadd.s32 $0xFFFF0600  }
0x4c: {  	[hbm4b:s8+s2] =	stream.linear.scatter [tilespmem:s6], [sflag:$0x2], $0xFA00, $0x38;
	[tilespmem:$0xFDE8] =	vst v63  }
0x4d: {  	_ =	swait.ge [sflag:s3], $0xFA00  }
0x4e: {  	[sflag:s3] =	ssyncset.done $0x0  }
0x4f: {  	[sflag:s3] =	ssyncadd.s32 $0xFFFF0600  }
0x50: {  	[tilespmem:s2], [sflag:$0x2] =	stream.linear.gather [hbm4b:s9+s2], $0x3E8, $0x38;
	[tilespmem:$0xFDE8] =	vst v63  }
0x51: {  	_ =	swait.ge [sflag:s3], $0x3E8  }
0x52: {  	[sflag:s3] =	ssyncset.done $0x0  }
0x53: {  	[sflag:s3] =	ssyncadd.s32 $0xFFFFFC18  }
0x54: {  	[tilespmem:s6], [sflag:$0x1] =	stream.indirect.gather [hbm4b:s5+s6], $0x40, s2, s6, $0xb8;
	[tilespmem:$0xFDE8] =	vst v63  }
0x55: {  	_ =	swait.ge [sflag:s7], $0xFA00  }
0x56: {  	[sflag:s7] =	ssyncset.done $0x0  }
0x57: {  	[sflag:s7] =	ssyncadd.s32 $0xFFFF0600  }
0x58: {  	[hbm4b:s10+s2] =	stream.linear.scatter [tilespmem:s6], [sflag:$0x2], $0xFA00, $0x38;
	[tilespmem:$0xFDE8] =	vst v63  }
0x59: {  	_ =	swait.ge [sflag:s3], $0xFA00  }
0x5a: {  	[sflag:s3] =	ssyncset.done $0x0  }
0x5b: {  	[sflag:s3] =	ssyncadd.s32 $0xFFFF0600  }
0x5c: {  	[tilespmem:s2], [sflag:$0x2] =	stream.linear.gather [hbm4b:s11+s2], $0x3E8, $0x38;
	[tilespmem:$0xFDE8] =	vst v63  }
0x5d: {  	_ =	swait.ge [sflag:s3], $0x3E8  }
0x5e: {  	[sflag:s3] =	ssyncset.done $0x0  }
0x5f: {  	[sflag:s3] =	ssyncadd.s32 $0xFFFFFC18  }
0x60: {  	[tilespmem:s6], [sflag:$0x1] =	stream.indirect.gather [hbm4b:s5+s6], $0x40, s2, s6, $0xb8;
	[tilespmem:$0xFDE8] =	vst v63  }
0x61: {  	_ =	swait.ge [sflag:s7], $0xFA00  }
0x62: {  	[sflag:s7] =	ssyncset.done $0x0  }
0x63: {  	[sflag:s7] =	ssyncadd.s32 $0xFFFF0600  }
0x64: {  	[hbm4b:s12+s2] =	stream.linear.scatter [tilespmem:s6], [sflag:$0x2], $0xFA00, $0x38;
	[tilespmem:$0xFDE8] =	vst v63  }
0x65: {  	_ =	swait.ge [sflag:s3], $0xFA00  }
0x66: {  	[sflag:s3] =	ssyncset.done $0x0  }
0x67: {  	[sflag:s3] =	ssyncadd.s32 $0xFFFF0600  }
0x68: {  	[tilespmem:s2], [sflag:$0x2] =	stream.linear.gather [hbm4b:s13+s2], $0x3E8, $0x38;
	[tilespmem:$0xFDE8] =	vst v63  }
0x69: {  	_ =	swait.ge [sflag:s3], $0x3E8  }
0x6a: {  	[sflag:s3] =	ssyncset.done $0x0  }
0x6b: {  	[sflag:s3] =	ssyncadd.s32 $0xFFFFFC18  }
0x6c: {  	[tilespmem:s6], [sflag:$0x1] =	stream.indirect.gather [hbm4b:s5+s6], $0x40, s2, s6, $0xb8;
	[tilespmem:$0xFDE8] =	vst v63  }
0x6d: {  	_ =	swait.ge [sflag:s7], $0xFA00  }
0x6e: {  	[sflag:s7] =	ssyncset.done $0x0  }
0x6f: {  	[sflag:s7] =	ssyncadd.s32 $0xFFFF0600  }
0x70: {  	[hbm4b:s14+s2] =	stream.linear.scatter [tilespmem:s6], [sflag:$0x2], $0xFA00, $0x38;
	[tilespmem:$0xFDE8] =	vst v63  }
0x71: {  	_ =	swait.ge [sflag:s3], $0xFA00  }
0x72: {  	[sflag:s3] =	ssyncset.done $0x0  }
0x73: {  	[sflag:s3] =	ssyncadd.s32 $0xFFFF0600  }
0x74: {  	[tilespmem:s2], [sflag:$0x2] =	stream.linear.gather [hbm4b:s15+s2], $0x3E8, $0x38;
	[tilespmem:$0xFDE8] =	vst v63  }
0x75: {  	_ =	swait.ge [sflag:s3], $0x3E8  }
0x76: {  	[sflag:s3] =	ssyncset.done $0x0  }
0x77: {  	[sflag:s3] =	ssyncadd.s32 $0xFFFFFC18  }
0x78: {  	[tilespmem:s6], [sflag:$0x1] =	stream.indirect.gather [hbm4b:s5+s6], $0x40, s2, s6, $0xb8;
	[tilespmem:$0xFDE8] =	vst v63  }
0x79: {  	_ =	swait.ge [sflag:s7], $0xFA00  }
.Ltmp1:
0x7a: {  	[sflag:s7] =	ssyncset.done $0x0;
	(pc) =	sbr.rel @p0 .LBB2_1-.Ltmp1, $4  }
0x7b: {  	[sflag:s7] =	ssyncadd.s32 $0xFFFF0600  }
0x7c: {  	[hbm4b:s16+s2] =	stream.linear.scatter [tilespmem:s6], [sflag:$0x2], $0xFA00, $0x38;
	[tilespmem:$0xFDE8] =	vst v63  }
0x7d: {  	_ =	swait.ge [sflag:s3], $0xFA00  }
0x7e: {  	[sflag:s3] =	ssyncset.done $0x0  }
.LBB2_2:
0x7f: {  	[sflag:s3] =	ssyncadd.s32 $0xFFFF0600  }
0x80: {  	_ =	sfence.sel $0x180000  }
0x81: {  	[bflag:$0x0] =	sbarrier.arrive $0xFFFF  }
0x82: {  	p0 =	sne.s32 s0, $0x0;
	_ =	strace $0x9000004A  }
0x83: {  	s0 =	sadd.s32 @!p0 $0x100000, s1;
	[bflag:$0x2] =	sbarrier.arrive $0xFFFF  }
0x84: {  	[sflag:s0] =	ssyncadd.tile.s32 @!p0 $0x1;
	_ =	shalt  }
.Lfunc_end2:
_tile_overlayer_lowered:
.L_overlay_start_2:
0x85: {  	(tag) =	ssettag $0x2  }
0x86: {  	s0 =	rddreg [dreg:$0x0];
	s2 =	stileid.u32  }
0x87: {  	s1 =	rddreg [dreg:$0x1];
	p0 =	sne.s32 s2, $0x0  }
0x88: {  	s3 =	rddreg [dreg:$0x2];
	[bflag:$0x3] =	sbarrier.arrive $0xFFFF;
	s2 =	simm.s32 @!p0 $0x1C02  }
0x89: {  	[timem:s3], [sflag:s2] =	dma.local @!p0 [hbm:s0], s1  }
0x8a: {  	s0 =	simm.s32 @!p0 $0x2  }
0x8b: {  	_ =	swait.ge @!p0 [sflag:s0], s1  }
0x8c: {  	s1 =	ssub.s32 @!p0 $0x0, s1;
	[sflag:s0] =	ssyncset.done @!p0 $0x0  }
0x8d: {  	[sflag:s0] =	ssyncadd.s32 @!p0 s1  }
0x8e: {  	[bflag:$0x3] =	sbarrier.arrive $0xFFFF  }
0x8f: {  	_ =	shalt  }

</sc_bundles>
